<compile_context>
chip_gen: v7x
topology: tpu7x:2x2x1
jax: 0.10.2.dev20260603
libtpu: 0.0.44.dev20260713+nightly
codegen_flags: <defaults>
</compile_context>

<pallas_src>
import functools

import jax
import jax.numpy as jnp
from jax import lax
from jax.experimental import pallas as pl
from jax.experimental.pallas import tpu as pltpu
from jax.experimental.pallas import tpu_sc as plsc

BN_EPS = 1e-5

NC = 2
NS = 16
NW = NC * NS


def _mm_prep_body(n, x_ref, w_ref, ei_ref, ko_ref, y_ref, g_ref, d_ref, z_ref):
    y_ref[...] = jnp.dot(x_ref[...], w_ref[0], preferred_element_type=jnp.float32)

    @pl.when(pl.program_id(0) == 0)
    def _():
        g_ref[...] = ko_ref[...] * n + ei_ref[0, :]
        d_ref[...] = ei_ref[1, :]
        z_ref[...] = jnp.zeros_like(z_ref)


def _transform_features(x, W, edge_index, kernel_offsets, zrows):
    n, c_in = x.shape
    k, _, c_out = W.shape
    e = edge_index.shape[1]
    const1 = lambda i: (0,)
    const2 = lambda i: (0, 0)
    return pl.pallas_call(
        functools.partial(_mm_prep_body, n),
        grid=(k,),
        in_specs=[
            pl.BlockSpec((n, c_in), const2),
            pl.BlockSpec((1, c_in, c_out), lambda i: (i, 0, 0)),
            pl.BlockSpec((2, e), const2),
            pl.BlockSpec((e,), const1),
        ],
        out_specs=[
            pl.BlockSpec((n, c_out), lambda i: (i, 0)),
            pl.BlockSpec((e,), const1),
            pl.BlockSpec((e,), const1),
            pl.BlockSpec((zrows, c_out), const2),
        ],
        out_shape=[
            jax.ShapeDtypeStruct((k * n, c_out), jnp.float32),
            jax.ShapeDtypeStruct((e,), jnp.int32),
            jax.ShapeDtypeStruct((e,), jnp.int32),
            jax.ShapeDtypeStruct((zrows, c_out), jnp.float32),
        ],
    )(x, W, edge_index, kernel_offsets)


def _make_sc_edge_kernel(n, c, e, ch, b, bt):
    mesh = plsc.VectorSubcoreMesh(
        core_axis_name="c", subcore_axis_name="s", num_cores=NC, num_subcores=NS
    )
    r8 = (n // NS) // 8 * 8
    r_last = n - (NS - 1) * r8
    e_per_w = e // NW

    @functools.partial(
        pl.kernel,
        mesh=mesh,
        out_type=jax.ShapeDtypeStruct((NC, n, c), jnp.float32),
        scratch_types=[
            pltpu.VMEM_SHARED((n, c), jnp.float32),
            pltpu.VMEM((e_per_w,), jnp.int32),
            pltpu.VMEM((b,), jnp.int32),
            pltpu.VMEM((b,), jnp.int32),
            pltpu.VMEM((b,), jnp.int32),
            pltpu.VMEM((b, c), jnp.float32),
            pltpu.VMEM((b, c), jnp.float32),
            pltpu.VMEM((b, c), jnp.float32),
            pltpu.VMEM((bt,), jnp.int32),
            pltpu.VMEM((bt, c), jnp.float32),
            pltpu.SemaphoreType.DMA,
            pltpu.SemaphoreType.DMA,
            pltpu.SemaphoreType.DMA,
            pltpu.SemaphoreType.DMA,
            pltpu.SemaphoreType.DMA,
            pltpu.SemaphoreType.DMA,
            pltpu.SemaphoreType.DMA,
            pltpu.SemaphoreType.DMA,
            pltpu.SemaphoreType.DMA,
            pltpu.SemaphoreType.DMA,
            pltpu.SemaphoreType.DMA,
        ],
    )
    def sc_kernel(y_hbm, gidx_hbm, dst_hbm, zeros_hbm, part_hbm,
                  acc, gidx_v, dst_a, dst_b, dst_c, rows_a, rows_b, rows_c,
                  dst_t, rows_t,
                  sem_ra, sem_rb, sem_rc, sem_da, sem_db, sem_dc,
                  sem_sa, sem_sb, sem_sc, sem_rt, sem_dt):
        cid = lax.axis_index("c")
        sid = lax.axis_index("s")
        wid = cid * NS + sid
        base = wid * e_per_w

        pltpu.sync_copy(gidx_hbm.at[pl.ds(base, e_per_w)], gidx_v)

        def chunk(g, dst_buf, rows_buf, sem_r, sem_d):
            d_r = pltpu.async_copy(y_hbm.at[gidx_v.at[pl.ds(g * b, b)]], rows_buf, sem_r)
            d_d = pltpu.async_copy(dst_hbm.at[pl.ds(base + g * b, b)], dst_buf, sem_d)
            return d_d, d_r

        in_a0 = chunk(0, dst_a, rows_a, sem_ra, sem_da)
        in_b0 = chunk(1, dst_b, rows_b, sem_rb, sem_db)
        in_c0 = chunk(2, dst_c, rows_c, sem_rc, sem_dc)
        in_t0 = pltpu.async_copy(
            dst_hbm.at[pl.ds(base + ch * b, bt)], dst_t, sem_dt)
        in_t1 = pltpu.async_copy(
            y_hbm.at[gidx_v.at[pl.ds(ch * b, bt)]], rows_t, sem_rt)

        @pl.when(sid < NS - 1)
        def _():
            pltpu.sync_copy(zeros_hbm.at[pl.ds(0, r8)], acc.at[pl.ds(sid * r8, r8)])

        @pl.when(sid == NS - 1)
        def _():
            pltpu.sync_copy(zeros_hbm, acc.at[pl.ds((NS - 1) * r8, r_last)])

        plsc.subcore_barrier()

        del in_a0, in_b0, in_c0, in_t0, in_t1

        def wait_gather(g, dst_buf, rows_buf, sem_r, sem_d):
            pltpu.make_async_copy(
                y_hbm.at[gidx_v.at[pl.ds(g * b, b)]], rows_buf, sem_r).wait()
            pltpu.make_async_copy(
                dst_hbm.at[pl.ds(base + g * b, b)], dst_buf, sem_d).wait()

        nt = ch // 3

        def triple_body(p, carry):
            g = p * 3
            wait_gather(g, dst_a, rows_a, sem_ra, sem_da)
            s_a = pltpu.async_copy(rows_a, acc.at[dst_a], sem_sa, add=True)
            wait_gather(g + 1, dst_b, rows_b, sem_rb, sem_db)
            s_b = pltpu.async_copy(rows_b, acc.at[dst_b], sem_sb, add=True)
            wait_gather(g + 2, dst_c, rows_c, sem_rc, sem_dc)
            s_c = pltpu.async_copy(rows_c, acc.at[dst_c], sem_sc, add=True)
            s_a.wait()
            chunk(g + 3, dst_a, rows_a, sem_ra, sem_da)
            s_b.wait()
            chunk(g + 4, dst_b, rows_b, sem_rb, sem_db)
            s_c.wait()
            chunk(g + 5, dst_c, rows_c, sem_rc, sem_dc)
            return carry

        lax.fori_loop(0, nt - 1, triple_body, 0)

        gl = (nt - 1) * 3
        wait_gather(gl, dst_a, rows_a, sem_ra, sem_da)
        s_a = pltpu.async_copy(rows_a, acc.at[dst_a], sem_sa, add=True)
        wait_gather(gl + 1, dst_b, rows_b, sem_rb, sem_db)
        s_b = pltpu.async_copy(rows_b, acc.at[dst_b], sem_sb, add=True)
        wait_gather(gl + 2, dst_c, rows_c, sem_rc, sem_dc)
        s_c = pltpu.async_copy(rows_c, acc.at[dst_c], sem_sc, add=True)

        slots = [
            (dst_a, rows_a, sem_ra, sem_da, sem_sa, s_a),
            (dst_b, rows_b, sem_rb, sem_db, sem_sb, s_b),
            (dst_c, rows_c, sem_rc, sem_dc, sem_sc, s_c),
        ]
        rem = ch - nt * 3
        for i in range(rem):
            d, r, sr, sd, ss, s = slots[i]
            s.wait()
            chunk(gl + 3 + i, d, r, sr, sd)
        for i in range(rem, 3):
            slots[i][5].wait()
        pend = []
        for i in range(rem):
            d, r, sr, sd, ss, _ = slots[i]
            wait_gather(gl + 3 + i, d, r, sr, sd)
            pend.append(pltpu.async_copy(r, acc.at[d], ss, add=True))
        pltpu.make_async_copy(
            y_hbm.at[gidx_v.at[pl.ds(ch * b, bt)]], rows_t, sem_rt).wait()
        pltpu.make_async_copy(
            dst_hbm.at[pl.ds(base + ch * b, bt)], dst_t, sem_dt).wait()
        pltpu.sync_copy(rows_t, acc.at[dst_t], add=True)
        for s in pend:
            s.wait()
        plsc.subcore_barrier()

        @pl.when(sid < NS - 1)
        def _():
            pltpu.sync_copy(
                acc.at[pl.ds(sid * r8, r8)],
                part_hbm.at[cid].at[pl.ds(sid * r8, r8)],
            )

        @pl.when(sid == NS - 1)
        def _():
            pltpu.sync_copy(
                acc.at[pl.ds((NS - 1) * r8, r_last)],
                part_hbm.at[cid].at[pl.ds((NS - 1) * r8, r_last)],
            )

    return sc_kernel


def _combine_bn_body(n, p_ref, g_ref, b_ref, o_ref):
    s = p_ref[0] + p_ref[1]
    mean = jnp.sum(s, axis=0, keepdims=True) / n
    var = jnp.sum(s * s, axis=0, keepdims=True) / n - mean * mean
    scale = lax.rsqrt(var + BN_EPS) * g_ref[...]
    o_ref[...] = (s - mean) * scale + b_ref[...]


def _combine_bn(part, gamma, beta):
    _, n, c = part.shape
    return pl.pallas_call(
        functools.partial(_combine_bn_body, n),
        in_specs=[
            pl.BlockSpec((2, n, c), lambda: (0, 0, 0)),
            pl.BlockSpec((1, c), lambda: (0, 0)),
            pl.BlockSpec((1, c), lambda: (0, 0)),
        ],
        out_specs=pl.BlockSpec((n, c), lambda: (0, 0)),
        out_shape=jax.ShapeDtypeStruct((n, c), jnp.float32),
    )(part, gamma, beta)


@jax.jit
def kernel(x, edge_index, kernel_offsets, W, bn_gamma, bn_beta):
    n, c_in = x.shape
    k, _, c_out = W.shape
    e = edge_index.shape[1]

    b = 96
    e_per_w = e // NW
    ch = e_per_w // b
    bt = e_per_w - ch * b
    r8 = (n // NS) // 8 * 8

    y, gidx, dst, zeros = _transform_features(
        x, W, edge_index, kernel_offsets, n - (NS - 1) * r8)

    part = _make_sc_edge_kernel(n, c_out, e, ch, b, bt)(y, gidx, dst, zeros)

    return _combine_bn(part, bn_gamma.reshape(1, c_out),
                       bn_beta.reshape(1, c_out))

# --- scband reference (transcript-rebuilt; emitter-appended) ---
"""Pipeline reference for scband-mink-conv-bn-82669530513899 (READ-ONLY COPY).

The authoritative reference and input builder live on the scoring server;
editing this copy changes nothing except your own understanding.
"""

import jax, jax.numpy as jnp
import numpy as np

N = 10000
E = 320000
C_IN = 128
C_OUT = 128
K = 27  # kernel_size=3, dimension=3 -> 3**3 kernel offsets
BN_EPS = 1e-5


def setup_inputs(seed: int = 0) -> dict:
    key = jax.random.key(seed)
    k1, k2, k3, k4 = jax.random.split(key, 4)
    # sparse-tensor node features
    x = jax.random.normal(k1, (N, C_IN), dtype=jnp.float32)
    # kernel-map edges: row 0 = src (input coord idx), row 1 = dst (output coord idx);
    # stride=1 Minkowski conv keeps the same coordinate set, so dst in [0, N)
    edge_index = jax.random.randint(k2, (2, E), 0, N, dtype=jnp.int32)
    # which of the 27 kernel offsets each kernel-map edge belongs to
    kernel_offsets = jax.random.randint(k3, (E,), 0, K, dtype=jnp.int32)
    # MinkowskiConvolution kernel: one [C_IN, C_OUT] matrix per kernel offset (bias=False)
    W = jax.random.normal(k4, (K, C_IN, C_OUT), dtype=jnp.float32) * 0.05
    # MinkowskiBatchNorm affine params
    bn_gamma = jnp.ones((C_OUT,), dtype=jnp.float32)
    bn_beta = jnp.zeros((C_OUT,), dtype=jnp.float32)
    return {
        "x": x,
        "edge_index": edge_index,
        "kernel_offsets": kernel_offsets,
        "W": W,
        "bn_gamma": bn_gamma,
        "bn_beta": bn_beta,
    }


def reference(x, edge_index, kernel_offsets, W, bn_gamma, bn_beta):
    n_nodes = x.shape[0]
    src = edge_index[0]
    dst = edge_index[1]
    # MinkowskiConvolution: for each kernel offset k, out[dst] += x[src] @ W[k]
    # over the kernel-map edges tagged with offset k. Equivalent vectorized form:
    # precompute per-offset transformed features, then gather+scatter-add per edge.
    y = jnp.einsum('ni,kio->kno', x, W)          # [K, N, C_OUT]
    msgs = y[kernel_offsets, src]                # [E, C_OUT] gather
    out = jnp.zeros((n_nodes, W.shape[2]), dtype=x.dtype).at[dst].add(msgs)  # scatter-add
    # MinkowskiBatchNorm (training-mode batch statistics over active sites)
    mean = jnp.mean(out, axis=0)
    var = jnp.var(out, axis=0)
    out_bn = (out - mean) / jnp.sqrt(var + BN_EPS) * bn_gamma + bn_beta
    return out_bn

if __name__ == "__main__":
    import jax
    _d = setup_inputs()
    print(jax.jit(kernel)(*tuple(_d.values())))

</pallas_src>

<mosaic_0001>
#map = affine_map<(d0, d1) -> (0, 0)>
#map1 = affine_map<(d0, d1) -> (0)>
#map2 = affine_map<(d0, d1) -> (0, 0, 0)>
module attributes {stable_mosaic.version = 14 : i64} {
  func.func @sc_kernel(%arg0: i32, %arg1: i32, %arg2: memref<270000x128xf32, #tpu.memory_space<hbm>>, %arg3: memref<320000xi32, #tpu.memory_space<hbm>>, %arg4: memref<320000xi32, #tpu.memory_space<hbm>>, %arg5: memref<640x128xf32, #tpu.memory_space<hbm>>, %arg6: memref<2x10000x128xf32, #tpu.memory_space<hbm>>, %arg7: memref<10000x128xf32, #tpu.memory_space<vmem_shared>>, %arg8: memref<10000xi32, #tpu.memory_space<vmem>>, %arg9: memref<96xi32, #tpu.memory_space<vmem>>, %arg10: memref<96xi32, #tpu.memory_space<vmem>>, %arg11: memref<96xi32, #tpu.memory_space<vmem>>, %arg12: memref<96x128xf32, #tpu.memory_space<vmem>>, %arg13: memref<96x128xf32, #tpu.memory_space<vmem>>, %arg14: memref<96x128xf32, #tpu.memory_space<vmem>>, %arg15: memref<16xi32, #tpu.memory_space<vmem>>, %arg16: memref<16x128xf32, #tpu.memory_space<vmem>>, %arg17: memref<!tpu.dma_semaphore, #tpu.memory_space<semaphore_mem>>, %arg18: memref<!tpu.dma_semaphore, #tpu.memory_space<semaphore_mem>>, %arg19: memref<!tpu.dma_semaphore, #tpu.memory_space<semaphore_mem>>, %arg20: memref<!tpu.dma_semaphore, #tpu.memory_space<semaphore_mem>>, %arg21: memref<!tpu.dma_semaphore, #tpu.memory_space<semaphore_mem>>, %arg22: memref<!tpu.dma_semaphore, #tpu.memory_space<semaphore_mem>>, %arg23: memref<!tpu.dma_semaphore, #tpu.memory_space<semaphore_mem>>, %arg24: memref<!tpu.dma_semaphore, #tpu.memory_space<semaphore_mem>>, %arg25: memref<!tpu.dma_semaphore, #tpu.memory_space<semaphore_mem>>, %arg26: memref<!tpu.dma_semaphore, #tpu.memory_space<semaphore_mem>>, %arg27: memref<!tpu.dma_semaphore, #tpu.memory_space<semaphore_mem>>) attributes {dimension_semantics = [#tpu.dimension_semantics<core_parallel>, #tpu.dimension_semantics<subcore_parallel>], iteration_bounds = array<i64: 2, 16>, scalar_prefetch = 0 : i64, scratch_operands = 21 : i64, tpu.core_type = #tpu.core_type<sc_vector_subcore>, window_params = [{transform_indices = #map}, {transform_indices = #map1}, {transform_indices = #map1}, {transform_indices = #map}, {transform_indices = #map2}]} {
    %mul3A = arith.constant 16 : i32
    %mul3A_0 = arith.muli %arg0, %mul3A : i32
    %add3A = arith.addi %mul3A_0, %arg1 : i32
    %mul3A_1 = arith.constant 10000 : i32
    %mul3A_2 = arith.muli %add3A, %mul3A_1 : i32
    "tpu.region"() ({
      %run_scoped3A = tpu.sem_alloc : memref<!tpu.dma_semaphore, #tpu.memory_space<semaphore_mem>>
      %dma_start3A_161 = tpu.memref_slice %arg3[%mul3A_2] : memref<320000xi32, #tpu.memory_space<hbm>> -> memref<10000xi32, #tpu.memory_space<hbm>>
      %dma_start3A_162 = tpu.memref_slice %arg3[%mul3A_2] : memref<320000xi32, #tpu.memory_space<hbm>> -> memref<10000xi32, #tpu.memory_space<hbm>>
      tpu.enqueue_dma source(%dma_start3A_162 : memref<10000xi32, #tpu.memory_space<hbm>>) target(%arg8 : memref<10000xi32, #tpu.memory_space<vmem>>) target_semaphore(%run_scoped3A : memref<!tpu.dma_semaphore, #tpu.memory_space<semaphore_mem>>)
      %dma_wait3A_163 = tpu.memref_slice %arg3[%mul3A_2] : memref<320000xi32, #tpu.memory_space<hbm>> -> memref<10000xi32, #tpu.memory_space<hbm>>
      %dma_wait3A_164 = tpu.memref_slice %arg3[%mul3A_2] : memref<320000xi32, #tpu.memory_space<hbm>> -> memref<10000xi32, #tpu.memory_space<hbm>>
      tpu.wait_dma2 semaphore(%run_scoped3A : memref<!tpu.dma_semaphore, #tpu.memory_space<semaphore_mem>>) src(%dma_wait3A_164 : memref<10000xi32, #tpu.memory_space<hbm>>) dst(%arg8 : memref<10000xi32, #tpu.memory_space<vmem>>)
      tpu.yield
    }) : () -> ()
    %dma_start3A = arith.constant 0 : i32
    %dma_start3A_3 = tpu.memref_slice %arg8[%dma_start3A] : memref<10000xi32, #tpu.memory_space<vmem>> -> memref<96xi32, #tpu.memory_space<vmem>>
    %dma_start3A_4 = arith.constant 0 : i32
    %dma_start3A_5 = arith.constant 0 : i32
    %dma_start3A_6 = tpu.memref_slice %arg2[%dma_start3A_4, %dma_start3A_5] : memref<270000x128xf32, #tpu.memory_space<hbm>> -> memref<270000x128xf32, #tpu.memory_space<hbm>>
    tpu.enqueue_indirect_dma source(%dma_start3A_6 : memref<270000x128xf32, #tpu.memory_space<hbm>>) target(%arg12 : memref<96x128xf32, #tpu.memory_space<vmem>>) offsets(%dma_start3A_3 : memref<96xi32, #tpu.memory_space<vmem>>) semaphore(%arg17 : memref<!tpu.dma_semaphore, #tpu.memory_space<semaphore_mem>>)
    %add3A_7 = arith.constant 0 : i32
    %add3A_8 = arith.addi %mul3A_2, %add3A_7 : i32
    %dma_start3A_9 = tpu.memref_slice %arg4[%add3A_8] : memref<320000xi32, #tpu.memory_space<hbm>> -> memref<96xi32, #tpu.memory_space<hbm>>
    %dma_start3A_10 = tpu.memref_slice %arg4[%add3A_8] : memref<320000xi32, #tpu.memory_space<hbm>> -> memref<96xi32, #tpu.memory_space<hbm>>
    tpu.enqueue_dma source(%dma_start3A_10 : memref<96xi32, #tpu.memory_space<hbm>>) target(%arg9 : memref<96xi32, #tpu.memory_space<vmem>>) target_semaphore(%arg20 : memref<!tpu.dma_semaphore, #tpu.memory_space<semaphore_mem>>)
    %dma_start3A_11 = arith.constant 96 : i32
    %dma_start3A_12 = tpu.memref_slice %arg8[%dma_start3A_11] : memref<10000xi32, #tpu.memory_space<vmem>> -> memref<96xi32, #tpu.memory_space<vmem>>
    %dma_start3A_13 = arith.constant 0 : i32
    %dma_start3A_14 = arith.constant 0 : i32
    %dma_start3A_15 = tpu.memref_slice %arg2[%dma_start3A_13, %dma_start3A_14] : memref<270000x128xf32, #tpu.memory_space<hbm>> -> memref<270000x128xf32, #tpu.memory_space<hbm>>
    tpu.enqueue_indirect_dma source(%dma_start3A_15 : memref<270000x128xf32, #tpu.memory_space<hbm>>) target(%arg13 : memref<96x128xf32, #tpu.memory_space<vmem>>) offsets(%dma_start3A_12 : memref<96xi32, #tpu.memory_space<vmem>>) semaphore(%arg18 : memref<!tpu.dma_semaphore, #tpu.memory_space<semaphore_mem>>)
    %add3A_16 = arith.constant 96 : i32
    %add3A_17 = arith.addi %mul3A_2, %add3A_16 : i32
    %dma_start3A_18 = tpu.memref_slice %arg4[%add3A_17] : memref<320000xi32, #tpu.memory_space<hbm>> -> memref<96xi32, #tpu.memory_space<hbm>>
    %dma_start3A_19 = tpu.memref_slice %arg4[%add3A_17] : memref<320000xi32, #tpu.memory_space<hbm>> -> memref<96xi32, #tpu.memory_space<hbm>>
    tpu.enqueue_dma source(%dma_start3A_19 : memref<96xi32, #tpu.memory_space<hbm>>) target(%arg10 : memref<96xi32, #tpu.memory_space<vmem>>) target_semaphore(%arg21 : memref<!tpu.dma_semaphore, #tpu.memory_space<semaphore_mem>>)
    %dma_start3A_20 = arith.constant 192 : i32
    %dma_start3A_21 = tpu.memref_slice %arg8[%dma_start3A_20] : memref<10000xi32, #tpu.memory_space<vmem>> -> memref<96xi32, #tpu.memory_space<vmem>>
    %dma_start3A_22 = arith.constant 0 : i32
    %dma_start3A_23 = arith.constant 0 : i32
    %dma_start3A_24 = tpu.memref_slice %arg2[%dma_start3A_22, %dma_start3A_23] : memref<270000x128xf32, #tpu.memory_space<hbm>> -> memref<270000x128xf32, #tpu.memory_space<hbm>>
    tpu.enqueue_indirect_dma source(%dma_start3A_24 : memref<270000x128xf32, #tpu.memory_space<hbm>>) target(%arg14 : memref<96x128xf32, #tpu.memory_space<vmem>>) offsets(%dma_start3A_21 : memref<96xi32, #tpu.memory_space<vmem>>) semaphore(%arg19 : memref<!tpu.dma_semaphore, #tpu.memory_space<semaphore_mem>>)
    %add3A_25 = arith.constant 192 : i32
    %add3A_26 = arith.addi %mul3A_2, %add3A_25 : i32
    %dma_start3A_27 = tpu.memref_slice %arg4[%add3A_26] : memref<320000xi32, #tpu.memory_space<hbm>> -> memref<96xi32, #tpu.memory_space<hbm>>
    %dma_start3A_28 = tpu.memref_slice %arg4[%add3A_26] : memref<320000xi32, #tpu.memory_space<hbm>> -> memref<96xi32, #tpu.memory_space<hbm>>
    tpu.enqueue_dma source(%dma_start3A_28 : memref<96xi32, #tpu.memory_space<hbm>>) target(%arg11 : memref<96xi32, #tpu.memory_space<vmem>>) target_semaphore(%arg22 : memref<!tpu.dma_semaphore, #tpu.memory_space<semaphore_mem>>)
    %add3A_29 = arith.constant 9984 : i32
    %add3A_30 = arith.addi %mul3A_2, %add3A_29 : i32
    %dma_start3A_31 = tpu.memref_slice %arg4[%add3A_30] : memref<320000xi32, #tpu.memory_space<hbm>> -> memref<16xi32, #tpu.memory_space<hbm>>
    %dma_start3A_32 = tpu.memref_slice %arg4[%add3A_30] : memref<320000xi32, #tpu.memory_space<hbm>> -> memref<16xi32, #tpu.memory_space<hbm>>
    tpu.enqueue_dma source(%dma_start3A_32 : memref<16xi32, #tpu.memory_space<hbm>>) target(%arg15 : memref<16xi32, #tpu.memory_space<vmem>>) target_semaphore(%arg27 : memref<!tpu.dma_semaphore, #tpu.memory_space<semaphore_mem>>)
    %dma_start3A_33 = arith.constant 9984 : i32
    %dma_start3A_34 = tpu.memref_slice %arg8[%dma_start3A_33] : memref<10000xi32, #tpu.memory_space<vmem>> -> memref<16xi32, #tpu.memory_space<vmem>>
    %dma_start3A_35 = arith.constant 0 : i32
    %dma_start3A_36 = arith.constant 0 : i32
    %dma_start3A_37 = tpu.memref_slice %arg2[%dma_start3A_35, %dma_start3A_36] : memref<270000x128xf32, #tpu.memory_space<hbm>> -> memref<270000x128xf32, #tpu.memory_space<hbm>>
    tpu.enqueue_indirect_dma source(%dma_start3A_37 : memref<270000x128xf32, #tpu.memory_space<hbm>>) target(%arg16 : memref<16x128xf32, #tpu.memory_space<vmem>>) offsets(%dma_start3A_34 : memref<16xi32, #tpu.memory_space<vmem>>) semaphore(%arg26 : memref<!tpu.dma_semaphore, #tpu.memory_space<semaphore_mem>>)
    %lt3A = arith.constant 15 : i32
    %lt3A_38 = arith.cmpi slt, %arg1, %lt3A : i32
    %convert_element_type3A = arith.extui %lt3A_38 : i1 to i32
    %cond3A = arith.constant 0 : i32
    %cond3A_39 = arith.cmpi ne, %convert_element_type3A, %cond3A : i32
    scf.if %cond3A_39 {
      %mul3A_161 = arith.constant 624 : i32
      %mul3A_162 = arith.muli %arg1, %mul3A_161 : i32
      "tpu.region"() ({
        %run_scoped3A = tpu.sem_alloc : memref<!tpu.dma_semaphore, #tpu.memory_space<semaphore_mem>>
        %dma_start3A_163 = arith.constant 0 : i32
        %dma_start3A_164 = tpu.memref_slice %arg7[%mul3A_162, %dma_start3A_163] : memref<10000x128xf32, #tpu.memory_space<vmem_shared>> -> memref<624x128xf32, #tpu.memory_space<vmem_shared>>
        %dma_start3A_165 = arith.constant 0 : i32
        %dma_start3A_166 = arith.constant 0 : i32
        %dma_start3A_167 = tpu.memref_slice %arg5[%dma_start3A_165, %dma_start3A_166] : memref<640x128xf32, #tpu.memory_space<hbm>> -> memref<624x128xf32, #tpu.memory_space<hbm>>
        tpu.enqueue_dma source(%dma_start3A_167 : memref<624x128xf32, #tpu.memory_space<hbm>>) target(%dma_start3A_164 : memref<624x128xf32, #tpu.memory_space<vmem_shared>>) target_semaphore(%run_scoped3A : memref<!tpu.dma_semaphore, #tpu.memory_space<semaphore_mem>>)
        %dma_wait3A_168 = arith.constant 0 : i32
        %dma_wait3A_169 = tpu.memref_slice %arg7[%mul3A_162, %dma_wait3A_168] : memref<10000x128xf32, #tpu.memory_space<vmem_shared>> -> memref<624x128xf32, #tpu.memory_space<vmem_shared>>
        %dma_wait3A_170 = arith.constant 0 : i32
        %dma_wait3A_171 = arith.constant 0 : i32
        %dma_wait3A_172 = tpu.memref_slice %arg5[%dma_wait3A_170, %dma_wait3A_171] : memref<640x128xf32, #tpu.memory_space<hbm>> -> memref<624x128xf32, #tpu.memory_space<hbm>>
        tpu.wait_dma2 semaphore(%run_scoped3A : memref<!tpu.dma_semaphore, #tpu.memory_space<semaphore_mem>>) src(%dma_wait3A_172 : memref<624x128xf32, #tpu.memory_space<hbm>>) dst(%dma_wait3A_169 : memref<624x128xf32, #tpu.memory_space<vmem_shared>>)
        tpu.yield
      }) : () -> ()
    } else {
    }
    %eq3A = arith.constant 15 : i32
    %eq3A_40 = arith.cmpi eq, %arg1, %eq3A : i32
    %convert_element_type3A_41 = arith.extui %eq3A_40 : i1 to i32
    %cond3A_42 = arith.constant 0 : i32
    %cond3A_43 = arith.cmpi ne, %convert_element_type3A_41, %cond3A_42 : i32
    scf.if %cond3A_43 {
      "tpu.region"() ({
        %run_scoped3A = tpu.sem_alloc : memref<!tpu.dma_semaphore, #tpu.memory_space<semaphore_mem>>
        %dma_start3A_161 = arith.constant 9360 : i32
        %dma_start3A_162 = arith.constant 0 : i32
        %dma_start3A_163 = tpu.memref_slice %arg7[%dma_start3A_161, %dma_start3A_162] : memref<10000x128xf32, #tpu.memory_space<vmem_shared>> -> memref<640x128xf32, #tpu.memory_space<vmem_shared>>
        tpu.enqueue_dma source(%arg5 : memref<640x128xf32, #tpu.memory_space<hbm>>) target(%dma_start3A_163 : memref<640x128xf32, #tpu.memory_space<vmem_shared>>) target_semaphore(%run_scoped3A : memref<!tpu.dma_semaphore, #tpu.memory_space<semaphore_mem>>)
        %dma_wait3A_164 = arith.constant 9360 : i32
        %dma_wait3A_165 = arith.constant 0 : i32
        %dma_wait3A_166 = tpu.memref_slice %arg7[%dma_wait3A_164, %dma_wait3A_165] : memref<10000x128xf32, #tpu.memory_space<vmem_shared>> -> memref<640x128xf32, #tpu.memory_space<vmem_shared>>
        tpu.wait_dma2 semaphore(%run_scoped3A : memref<!tpu.dma_semaphore, #tpu.memory_space<semaphore_mem>>) src(%arg5 : memref<640x128xf32, #tpu.memory_space<hbm>>) dst(%dma_wait3A_166 : memref<640x128xf32, #tpu.memory_space<vmem_shared>>)
        tpu.yield
      }) : () -> ()
    } else {
    }
    %barrier3A = arith.constant 0 : index
    tpu.barrier barrier_id(%barrier3A)
    %scan3A = arith.constant 0 : i32
    %scan3A_44 = arith.constant 0 : i32
    %scan3A_45 = arith.constant 33 : i32
    %scan3A_46 = arith.addi %scan3A_44, %scan3A_45 : i32
    %scan3A_47 = arith.constant 1 : i32
    scf.for %scan3A_161 = %scan3A_44 to %scan3A_46 step %scan3A_47  : i32 {
      %mul3A_162 = arith.constant 3 : i32
      %mul3A_163 = arith.muli %scan3A_161, %mul3A_162 : i32
      %mul3A_164 = arith.constant 96 : i32
      %mul3A_165 = arith.muli %mul3A_163, %mul3A_164 : i32
      %dma_wait3A_166 = tpu.memref_slice %arg8[%mul3A_165] : memref<10000xi32, #tpu.memory_space<vmem>> -> memref<96xi32, #tpu.memory_space<vmem>>
      %dma_wait3A_167 = arith.constant 0 : i32
      %dma_wait3A_168 = arith.constant 0 : i32
      %dma_wait3A_169 = tpu.memref_slice %arg2[%dma_wait3A_167, %dma_wait3A_168] : memref<270000x128xf32, #tpu.memory_space<hbm>> -> memref<270000x128xf32, #tpu.memory_space<hbm>>
      tpu.wait_indirect_dma semaphore(%arg17 : memref<!tpu.dma_semaphore, #tpu.memory_space<semaphore_mem>>) src(%dma_wait3A_169 : memref<270000x128xf32, #tpu.memory_space<hbm>>) dst(%arg12 : memref<96x128xf32, #tpu.memory_space<vmem>>)
      %mul3A_170 = arith.constant 96 : i32
      %mul3A_171 = arith.muli %mul3A_163, %mul3A_170 : i32
      %add3A_172 = arith.addi %mul3A_2, %mul3A_171 : i32
      %dma_wait3A_173 = tpu.memref_slice %arg4[%add3A_172] : memref<320000xi32, #tpu.memory_space<hbm>> -> memref<96xi32, #tpu.memory_space<hbm>>
      %dma_wait3A_174 = tpu.memref_slice %arg4[%add3A_172] : memref<320000xi32, #tpu.memory_space<hbm>> -> memref<96xi32, #tpu.memory_space<hbm>>
      tpu.wait_dma2 semaphore(%arg20 : memref<!tpu.dma_semaphore, #tpu.memory_space<semaphore_mem>>) src(%dma_wait3A_174 : memref<96xi32, #tpu.memory_space<hbm>>) dst(%arg9 : memref<96xi32, #tpu.memory_space<vmem>>)
      %dma_start3A_175 = arith.constant 0 : i32
      %dma_start3A_176 = arith.constant 0 : i32
      %dma_start3A_177 = tpu.memref_slice %arg7[%dma_start3A_175, %dma_start3A_176] : memref<10000x128xf32, #tpu.memory_space<vmem_shared>> -> memref<10000x128xf32, #tpu.memory_space<vmem_shared>>
      tpu.enqueue_indirect_dma source(%arg12 : memref<96x128xf32, #tpu.memory_space<vmem>>) target(%dma_start3A_177 : memref<10000x128xf32, #tpu.memory_space<vmem_shared>>) offsets(%arg9 : memref<96xi32, #tpu.memory_space<vmem>>) semaphore(%arg23 : memref<!tpu.dma_semaphore, #tpu.memory_space<semaphore_mem>>) {add = true}
      %add3A_178 = arith.constant 1 : i32
      %add3A_179 = arith.addi %mul3A_163, %add3A_178 : i32
      %mul3A_180 = arith.constant 96 : i32
      %mul3A_181 = arith.muli %add3A_179, %mul3A_180 : i32
      %dma_wait3A_182 = tpu.memref_slice %arg8[%mul3A_181] : memref<10000xi32, #tpu.memory_space<vmem>> -> memref<96xi32, #tpu.memory_space<vmem>>
      %dma_wait3A_183 = arith.constant 0 : i32
      %dma_wait3A_184 = arith.constant 0 : i32
      %dma_wait3A_185 = tpu.memref_slice %arg2[%dma_wait3A_183, %dma_wait3A_184] : memref<270000x128xf32, #tpu.memory_space<hbm>> -> memref<270000x128xf32, #tpu.memory_space<hbm>>
      tpu.wait_indirect_dma semaphore(%arg18 : memref<!tpu.dma_semaphore, #tpu.memory_space<semaphore_mem>>) src(%dma_wait3A_185 : memref<270000x128xf32, #tpu.memory_space<hbm>>) dst(%arg13 : memref<96x128xf32, #tpu.memory_space<vmem>>)
      %mul3A_186 = arith.constant 96 : i32
      %mul3A_187 = arith.muli %add3A_179, %mul3A_186 : i32
      %add3A_188 = arith.addi %mul3A_2, %mul3A_187 : i32
      %dma_wait3A_189 = tpu.memref_slice %arg4[%add3A_188] : memref<320000xi32, #tpu.memory_space<hbm>> -> memref<96xi32, #tpu.memory_space<hbm>>
      %dma_wait3A_190 = tpu.memref_slice %arg4[%add3A_188] : memref<320000xi32, #tpu.memory_space<hbm>> -> memref<96xi32, #tpu.memory_space<hbm>>
      tpu.wait_dma2 semaphore(%arg21 : memref<!tpu.dma_semaphore, #tpu.memory_space<semaphore_mem>>) src(%dma_wait3A_190 : memref<96xi32, #tpu.memory_space<hbm>>) dst(%arg10 : memref<96xi32, #tpu.memory_space<vmem>>)
      %dma_start3A_191 = arith.constant 0 : i32
      %dma_start3A_192 = arith.constant 0 : i32
      %dma_start3A_193 = tpu.memref_slice %arg7[%dma_start3A_191, %dma_start3A_192] : memref<10000x128xf32, #tpu.memory_space<vmem_shared>> -> memref<10000x128xf32, #tpu.memory_space<vmem_shared>>
      tpu.enqueue_indirect_dma source(%arg13 : memref<96x128xf32, #tpu.memory_space<vmem>>) target(%dma_start3A_193 : memref<10000x128xf32, #tpu.memory_space<vmem_shared>>) offsets(%arg10 : memref<96xi32, #tpu.memory_space<vmem>>) semaphore(%arg24 : memref<!tpu.dma_semaphore, #tpu.memory_space<semaphore_mem>>) {add = true}
      %add3A_194 = arith.constant 2 : i32
      %add3A_195 = arith.addi %mul3A_163, %add3A_194 : i32
      %mul3A_196 = arith.constant 96 : i32
      %mul3A_197 = arith.muli %add3A_195, %mul3A_196 : i32
      %dma_wait3A_198 = tpu.memref_slice %arg8[%mul3A_197] : memref<10000xi32, #tpu.memory_space<vmem>> -> memref<96xi32, #tpu.memory_space<vmem>>
      %dma_wait3A_199 = arith.constant 0 : i32
      %dma_wait3A_200 = arith.constant 0 : i32
      %dma_wait3A_201 = tpu.memref_slice %arg2[%dma_wait3A_199, %dma_wait3A_200] : memref<270000x128xf32, #tpu.memory_space<hbm>> -> memref<270000x128xf32, #tpu.memory_space<hbm>>
      tpu.wait_indirect_dma semaphore(%arg19 : memref<!tpu.dma_semaphore, #tpu.memory_space<semaphore_mem>>) src(%dma_wait3A_201 : memref<270000x128xf32, #tpu.memory_space<hbm>>) dst(%arg14 : memref<96x128xf32, #tpu.memory_space<vmem>>)
      %mul3A_202 = arith.constant 96 : i32
      %mul3A_203 = arith.muli %add3A_195, %mul3A_202 : i32
      %add3A_204 = arith.addi %mul3A_2, %mul3A_203 : i32
      %dma_wait3A_205 = tpu.memref_slice %arg4[%add3A_204] : memref<320000xi32, #tpu.memory_space<hbm>> -> memref<96xi32, #tpu.memory_space<hbm>>
      %dma_wait3A_206 = tpu.memref_slice %arg4[%add3A_204] : memref<320000xi32, #tpu.memory_space<hbm>> -> memref<96xi32, #tpu.memory_space<hbm>>
      tpu.wait_dma2 semaphore(%arg22 : memref<!tpu.dma_semaphore, #tpu.memory_space<semaphore_mem>>) src(%dma_wait3A_206 : memref<96xi32, #tpu.memory_space<hbm>>) dst(%arg11 : memref<96xi32, #tpu.memory_space<vmem>>)
      %dma_start3A_207 = arith.constant 0 : i32
      %dma_start3A_208 = arith.constant 0 : i32
      %dma_start3A_209 = tpu.memref_slice %arg7[%dma_start3A_207, %dma_start3A_208] : memref<10000x128xf32, #tpu.memory_space<vmem_shared>> -> memref<10000x128xf32, #tpu.memory_space<vmem_shared>>
      tpu.enqueue_indirect_dma source(%arg14 : memref<96x128xf32, #tpu.memory_space<vmem>>) target(%dma_start3A_209 : memref<10000x128xf32, #tpu.memory_space<vmem_shared>>) offsets(%arg11 : memref<96xi32, #tpu.memory_space<vmem>>) semaphore(%arg25 : memref<!tpu.dma_semaphore, #tpu.memory_space<semaphore_mem>>) {add = true}
      %dma_wait3A_210 = arith.constant 0 : i32
      %dma_wait3A_211 = arith.constant 0 : i32
      %dma_wait3A_212 = tpu.memref_slice %arg7[%dma_wait3A_210, %dma_wait3A_211] : memref<10000x128xf32, #tpu.memory_space<vmem_shared>> -> memref<10000x128xf32, #tpu.memory_space<vmem_shared>>
      tpu.wait_indirect_dma semaphore(%arg23 : memref<!tpu.dma_semaphore, #tpu.memory_space<semaphore_mem>>) src(%arg12 : memref<96x128xf32, #tpu.memory_space<vmem>>) dst(%dma_wait3A_212 : memref<10000x128xf32, #tpu.memory_space<vmem_shared>>)
      %add3A_213 = arith.constant 3 : i32
      %add3A_214 = arith.addi %mul3A_163, %add3A_213 : i32
      %mul3A_215 = arith.constant 96 : i32
      %mul3A_216 = arith.muli %add3A_214, %mul3A_215 : i32
      %dma_start3A_217 = tpu.memref_slice %arg8[%mul3A_216] : memref<10000xi32, #tpu.memory_space<vmem>> -> memref<96xi32, #tpu.memory_space<vmem>>
      %dma_start3A_218 = arith.constant 0 : i32
      %dma_start3A_219 = arith.constant 0 : i32
      %dma_start3A_220 = tpu.memref_slice %arg2[%dma_start3A_218, %dma_start3A_219] : memref<270000x128xf32, #tpu.memory_space<hbm>> -> memref<270000x128xf32, #tpu.memory_space<hbm>>
      tpu.enqueue_indirect_dma source(%dma_start3A_220 : memref<270000x128xf32, #tpu.memory_space<hbm>>) target(%arg12 : memref<96x128xf32, #tpu.memory_space<vmem>>) offsets(%dma_start3A_217 : memref<96xi32, #tpu.memory_space<vmem>>) semaphore(%arg17 : memref<!tpu.dma_semaphore, #tpu.memory_space<semaphore_mem>>)
      %mul3A_221 = arith.constant 96 : i32
      %mul3A_222 = arith.muli %add3A_214, %mul3A_221 : i32
      %add3A_223 = arith.addi %mul3A_2, %mul3A_222 : i32
      %dma_start3A_224 = tpu.memref_slice %arg4[%add3A_223] : memref<320000xi32, #tpu.memory_space<hbm>> -> memref<96xi32, #tpu.memory_space<hbm>>
      %dma_start3A_225 = tpu.memref_slice %arg4[%add3A_223] : memref<320000xi32, #tpu.memory_space<hbm>> -> memref<96xi32, #tpu.memory_space<hbm>>
      tpu.enqueue_dma source(%dma_start3A_225 : memref<96xi32, #tpu.memory_space<hbm>>) target(%arg9 : memref<96xi32, #tpu.memory_space<vmem>>) target_semaphore(%arg20 : memref<!tpu.dma_semaphore, #tpu.memory_space<semaphore_mem>>)
      %dma_wait3A_226 = arith.constant 0 : i32
      %dma_wait3A_227 = arith.constant 0 : i32
      %dma_wait3A_228 = tpu.memref_slice %arg7[%dma_wait3A_226, %dma_wait3A_227] : memref<10000x128xf32, #tpu.memory_space<vmem_shared>> -> memref<10000x128xf32, #tpu.memory_space<vmem_shared>>
      tpu.wait_indirect_dma semaphore(%arg24 : memref<!tpu.dma_semaphore, #tpu.memory_space<semaphore_mem>>) src(%arg13 : memref<96x128xf32, #tpu.memory_space<vmem>>) dst(%dma_wait3A_228 : memref<10000x128xf32, #tpu.memory_space<vmem_shared>>)
      %add3A_229 = arith.constant 4 : i32
      %add3A_230 = arith.addi %mul3A_163, %add3A_229 : i32
      %mul3A_231 = arith.constant 96 : i32
      %mul3A_232 = arith.muli %add3A_230, %mul3A_231 : i32
      %dma_start3A_233 = tpu.memref_slice %arg8[%mul3A_232] : memref<10000xi32, #tpu.memory_space<vmem>> -> memref<96xi32, #tpu.memory_space<vmem>>
      %dma_start3A_234 = arith.constant 0 : i32
      %dma_start3A_235 = arith.constant 0 : i32
      %dma_start3A_236 = tpu.memref_slice %arg2[%dma_start3A_234, %dma_start3A_235] : memref<270000x128xf32, #tpu.memory_space<hbm>> -> memref<270000x128xf32, #tpu.memory_space<hbm>>
      tpu.enqueue_indirect_dma source(%dma_start3A_236 : memref<270000x128xf32, #tpu.memory_space<hbm>>) target(%arg13 : memref<96x128xf32, #tpu.memory_space<vmem>>) offsets(%dma_start3A_233 : memref<96xi32, #tpu.memory_space<vmem>>) semaphore(%arg18 : memref<!tpu.dma_semaphore, #tpu.memory_space<semaphore_mem>>)
      %mul3A_237 = arith.constant 96 : i32
      %mul3A_238 = arith.muli %add3A_230, %mul3A_237 : i32
      %add3A_239 = arith.addi %mul3A_2, %mul3A_238 : i32
      %dma_start3A_240 = tpu.memref_slice %arg4[%add3A_239] : memref<320000xi32, #tpu.memory_space<hbm>> -> memref<96xi32, #tpu.memory_space<hbm>>
      %dma_start3A_241 = tpu.memref_slice %arg4[%add3A_239] : memref<320000xi32, #tpu.memory_space<hbm>> -> memref<96xi32, #tpu.memory_space<hbm>>
      tpu.enqueue_dma source(%dma_start3A_241 : memref<96xi32, #tpu.memory_space<hbm>>) target(%arg10 : memref<96xi32, #tpu.memory_space<vmem>>) target_semaphore(%arg21 : memref<!tpu.dma_semaphore, #tpu.memory_space<semaphore_mem>>)
      %dma_wait3A_242 = arith.constant 0 : i32
      %dma_wait3A_243 = arith.constant 0 : i32
      %dma_wait3A_244 = tpu.memref_slice %arg7[%dma_wait3A_242, %dma_wait3A_243] : memref<10000x128xf32, #tpu.memory_space<vmem_shared>> -> memref<10000x128xf32, #tpu.memory_space<vmem_shared>>
      tpu.wait_indirect_dma semaphore(%arg25 : memref<!tpu.dma_semaphore, #tpu.memory_space<semaphore_mem>>) src(%arg14 : memref<96x128xf32, #tpu.memory_space<vmem>>) dst(%dma_wait3A_244 : memref<10000x128xf32, #tpu.memory_space<vmem_shared>>)
      %add3A_245 = arith.constant 5 : i32
      %add3A_246 = arith.addi %mul3A_163, %add3A_245 : i32
      %mul3A_247 = arith.constant 96 : i32
      %mul3A_248 = arith.muli %add3A_246, %mul3A_247 : i32
      %dma_start3A_249 = tpu.memref_slice %arg8[%mul3A_248] : memref<10000xi32, #tpu.memory_space<vmem>> -> memref<96xi32, #tpu.memory_space<vmem>>
      %dma_start3A_250 = arith.constant 0 : i32
      %dma_start3A_251 = arith.constant 0 : i32
      %dma_start3A_252 = tpu.memref_slice %arg2[%dma_start3A_250, %dma_start3A_251] : memref<270000x128xf32, #tpu.memory_space<hbm>> -> memref<270000x128xf32, #tpu.memory_space<hbm>>
      tpu.enqueue_indirect_dma source(%dma_start3A_252 : memref<270000x128xf32, #tpu.memory_space<hbm>>) target(%arg14 : memref<96x128xf32, #tpu.memory_space<vmem>>) offsets(%dma_start3A_249 : memref<96xi32, #tpu.memory_space<vmem>>) semaphore(%arg19 : memref<!tpu.dma_semaphore, #tpu.memory_space<semaphore_mem>>)
      %mul3A_253 = arith.constant 96 : i32
      %mul3A_254 = arith.muli %add3A_246, %mul3A_253 : i32
      %add3A_255 = arith.addi %mul3A_2, %mul3A_254 : i32
      %dma_start3A_256 = tpu.memref_slice %arg4[%add3A_255] : memref<320000xi32, #tpu.memory_space<hbm>> -> memref<96xi32, #tpu.memory_space<hbm>>
      %dma_start3A_257 = tpu.memref_slice %arg4[%add3A_255] : memref<320000xi32, #tpu.memory_space<hbm>> -> memref<96xi32, #tpu.memory_space<hbm>>
      tpu.enqueue_dma source(%dma_start3A_257 : memref<96xi32, #tpu.memory_space<hbm>>) target(%arg11 : memref<96xi32, #tpu.memory_space<vmem>>) target_semaphore(%arg22 : memref<!tpu.dma_semaphore, #tpu.memory_space<semaphore_mem>>)
    }
    %scan3A_48 = arith.constant 33 : i32
    %dma_wait3A = arith.constant 9504 : i32
    %dma_wait3A_49 = tpu.memref_slice %arg8[%dma_wait3A] : memref<10000xi32, #tpu.memory_space<vmem>> -> memref<96xi32, #tpu.memory_space<vmem>>
    %dma_wait3A_50 = arith.constant 0 : i32
    %dma_wait3A_51 = arith.constant 0 : i32
    %dma_wait3A_52 = tpu.memref_slice %arg2[%dma_wait3A_50, %dma_wait3A_51] : memref<270000x128xf32, #tpu.memory_space<hbm>> -> memref<270000x128xf32, #tpu.memory_space<hbm>>
    tpu.wait_indirect_dma semaphore(%arg17 : memref<!tpu.dma_semaphore, #tpu.memory_space<semaphore_mem>>) src(%dma_wait3A_52 : memref<270000x128xf32, #tpu.memory_space<hbm>>) dst(%arg12 : memref<96x128xf32, #tpu.memory_space<vmem>>)
    %add3A_53 = arith.constant 9504 : i32
    %add3A_54 = arith.addi %mul3A_2, %add3A_53 : i32
    %dma_wait3A_55 = tpu.memref_slice %arg4[%add3A_54] : memref<320000xi32, #tpu.memory_space<hbm>> -> memref<96xi32, #tpu.memory_space<hbm>>
    %dma_wait3A_56 = tpu.memref_slice %arg4[%add3A_54] : memref<320000xi32, #tpu.memory_space<hbm>> -> memref<96xi32, #tpu.memory_space<hbm>>
    tpu.wait_dma2 semaphore(%arg20 : memref<!tpu.dma_semaphore, #tpu.memory_space<semaphore_mem>>) src(%dma_wait3A_56 : memref<96xi32, #tpu.memory_space<hbm>>) dst(%arg9 : memref<96xi32, #tpu.memory_space<vmem>>)
    %dma_start3A_57 = arith.constant 0 : i32
    %dma_start3A_58 = arith.constant 0 : i32
    %dma_start3A_59 = tpu.memref_slice %arg7[%dma_start3A_57, %dma_start3A_58] : memref<10000x128xf32, #tpu.memory_space<vmem_shared>> -> memref<10000x128xf32, #tpu.memory_space<vmem_shared>>
    tpu.enqueue_indirect_dma source(%arg12 : memref<96x128xf32, #tpu.memory_space<vmem>>) target(%dma_start3A_59 : memref<10000x128xf32, #tpu.memory_space<vmem_shared>>) offsets(%arg9 : memref<96xi32, #tpu.memory_space<vmem>>) semaphore(%arg23 : memref<!tpu.dma_semaphore, #tpu.memory_space<semaphore_mem>>) {add = true}
    %dma_wait3A_60 = arith.constant 9600 : i32
    %dma_wait3A_61 = tpu.memref_slice %arg8[%dma_wait3A_60] : memref<10000xi32, #tpu.memory_space<vmem>> -> memref<96xi32, #tpu.memory_space<vmem>>
    %dma_wait3A_62 = arith.constant 0 : i32
    %dma_wait3A_63 = arith.constant 0 : i32
    %dma_wait3A_64 = tpu.memref_slice %arg2[%dma_wait3A_62, %dma_wait3A_63] : memref<270000x128xf32, #tpu.memory_space<hbm>> -> memref<270000x128xf32, #tpu.memory_space<hbm>>
    tpu.wait_indirect_dma semaphore(%arg18 : memref<!tpu.dma_semaphore, #tpu.memory_space<semaphore_mem>>) src(%dma_wait3A_64 : memref<270000x128xf32, #tpu.memory_space<hbm>>) dst(%arg13 : memref<96x128xf32, #tpu.memory_space<vmem>>)
    %add3A_65 = arith.constant 9600 : i32
    %add3A_66 = arith.addi %mul3A_2, %add3A_65 : i32
    %dma_wait3A_67 = tpu.memref_slice %arg4[%add3A_66] : memref<320000xi32, #tpu.memory_space<hbm>> -> memref<96xi32, #tpu.memory_space<hbm>>
    %dma_wait3A_68 = tpu.memref_slice %arg4[%add3A_66] : memref<320000xi32, #tpu.memory_space<hbm>> -> memref<96xi32, #tpu.memory_space<hbm>>
    tpu.wait_dma2 semaphore(%arg21 : memref<!tpu.dma_semaphore, #tpu.memory_space<semaphore_mem>>) src(%dma_wait3A_68 : memref<96xi32, #tpu.memory_space<hbm>>) dst(%arg10 : memref<96xi32, #tpu.memory_space<vmem>>)
    %dma_start3A_69 = arith.constant 0 : i32
    %dma_start3A_70 = arith.constant 0 : i32
    %dma_start3A_71 = tpu.memref_slice %arg7[%dma_start3A_69, %dma_start3A_70] : memref<10000x128xf32, #tpu.memory_space<vmem_shared>> -> memref<10000x128xf32, #tpu.memory_space<vmem_shared>>
    tpu.enqueue_indirect_dma source(%arg13 : memref<96x128xf32, #tpu.memory_space<vmem>>) target(%dma_start3A_71 : memref<10000x128xf32, #tpu.memory_space<vmem_shared>>) offsets(%arg10 : memref<96xi32, #tpu.memory_space<vmem>>) semaphore(%arg24 : memref<!tpu.dma_semaphore, #tpu.memory_space<semaphore_mem>>) {add = true}
    %dma_wait3A_72 = arith.constant 9696 : i32
    %dma_wait3A_73 = tpu.memref_slice %arg8[%dma_wait3A_72] : memref<10000xi32, #tpu.memory_space<vmem>> -> memref<96xi32, #tpu.memory_space<vmem>>
    %dma_wait3A_74 = arith.constant 0 : i32
    %dma_wait3A_75 = arith.constant 0 : i32
    %dma_wait3A_76 = tpu.memref_slice %arg2[%dma_wait3A_74, %dma_wait3A_75] : memref<270000x128xf32, #tpu.memory_space<hbm>> -> memref<270000x128xf32, #tpu.memory_space<hbm>>
    tpu.wait_indirect_dma semaphore(%arg19 : memref<!tpu.dma_semaphore, #tpu.memory_space<semaphore_mem>>) src(%dma_wait3A_76 : memref<270000x128xf32, #tpu.memory_space<hbm>>) dst(%arg14 : memref<96x128xf32, #tpu.memory_space<vmem>>)
    %add3A_77 = arith.constant 9696 : i32
    %add3A_78 = arith.addi %mul3A_2, %add3A_77 : i32
    %dma_wait3A_79 = tpu.memref_slice %arg4[%add3A_78] : memref<320000xi32, #tpu.memory_space<hbm>> -> memref<96xi32, #tpu.memory_space<hbm>>
    %dma_wait3A_80 = tpu.memref_slice %arg4[%add3A_78] : memref<320000xi32, #tpu.memory_space<hbm>> -> memref<96xi32, #tpu.memory_space<hbm>>
    tpu.wait_dma2 semaphore(%arg22 : memref<!tpu.dma_semaphore, #tpu.memory_space<semaphore_mem>>) src(%dma_wait3A_80 : memref<96xi32, #tpu.memory_space<hbm>>) dst(%arg11 : memref<96xi32, #tpu.memory_space<vmem>>)
    %dma_start3A_81 = arith.constant 0 : i32
    %dma_start3A_82 = arith.constant 0 : i32
    %dma_start3A_83 = tpu.memref_slice %arg7[%dma_start3A_81, %dma_start3A_82] : memref<10000x128xf32, #tpu.memory_space<vmem_shared>> -> memref<10000x128xf32, #tpu.memory_space<vmem_shared>>
    tpu.enqueue_indirect_dma source(%arg14 : memref<96x128xf32, #tpu.memory_space<vmem>>) target(%dma_start3A_83 : memref<10000x128xf32, #tpu.memory_space<vmem_shared>>) offsets(%arg11 : memref<96xi32, #tpu.memory_space<vmem>>) semaphore(%arg25 : memref<!tpu.dma_semaphore, #tpu.memory_space<semaphore_mem>>) {add = true}
    %dma_wait3A_84 = arith.constant 0 : i32
    %dma_wait3A_85 = arith.constant 0 : i32
    %dma_wait3A_86 = tpu.memref_slice %arg7[%dma_wait3A_84, %dma_wait3A_85] : memref<10000x128xf32, #tpu.memory_space<vmem_shared>> -> memref<10000x128xf32, #tpu.memory_space<vmem_shared>>
    tpu.wait_indirect_dma semaphore(%arg23 : memref<!tpu.dma_semaphore, #tpu.memory_space<semaphore_mem>>) src(%arg12 : memref<96x128xf32, #tpu.memory_space<vmem>>) dst(%dma_wait3A_86 : memref<10000x128xf32, #tpu.memory_space<vmem_shared>>)
    %dma_start3A_87 = arith.constant 9792 : i32
    %dma_start3A_88 = tpu.memref_slice %arg8[%dma_start3A_87] : memref<10000xi32, #tpu.memory_space<vmem>> -> memref<96xi32, #tpu.memory_space<vmem>>
    %dma_start3A_89 = arith.constant 0 : i32
    %dma_start3A_90 = arith.constant 0 : i32
    %dma_start3A_91 = tpu.memref_slice %arg2[%dma_start3A_89, %dma_start3A_90] : memref<270000x128xf32, #tpu.memory_space<hbm>> -> memref<270000x128xf32, #tpu.memory_space<hbm>>
    tpu.enqueue_indirect_dma source(%dma_start3A_91 : memref<270000x128xf32, #tpu.memory_space<hbm>>) target(%arg12 : memref<96x128xf32, #tpu.memory_space<vmem>>) offsets(%dma_start3A_88 : memref<96xi32, #tpu.memory_space<vmem>>) semaphore(%arg17 : memref<!tpu.dma_semaphore, #tpu.memory_space<semaphore_mem>>)
    %add3A_92 = arith.constant 9792 : i32
    %add3A_93 = arith.addi %mul3A_2, %add3A_92 : i32
    %dma_start3A_94 = tpu.memref_slice %arg4[%add3A_93] : memref<320000xi32, #tpu.memory_space<hbm>> -> memref<96xi32, #tpu.memory_space<hbm>>
    %dma_start3A_95 = tpu.memref_slice %arg4[%add3A_93] : memref<320000xi32, #tpu.memory_space<hbm>> -> memref<96xi32, #tpu.memory_space<hbm>>
    tpu.enqueue_dma source(%dma_start3A_95 : memref<96xi32, #tpu.memory_space<hbm>>) target(%arg9 : memref<96xi32, #tpu.memory_space<vmem>>) target_semaphore(%arg20 : memref<!tpu.dma_semaphore, #tpu.memory_space<semaphore_mem>>)
    %dma_wait3A_96 = arith.constant 0 : i32
    %dma_wait3A_97 = arith.constant 0 : i32
    %dma_wait3A_98 = tpu.memref_slice %arg7[%dma_wait3A_96, %dma_wait3A_97] : memref<10000x128xf32, #tpu.memory_space<vmem_shared>> -> memref<10000x128xf32, #tpu.memory_space<vmem_shared>>
    tpu.wait_indirect_dma semaphore(%arg24 : memref<!tpu.dma_semaphore, #tpu.memory_space<semaphore_mem>>) src(%arg13 : memref<96x128xf32, #tpu.memory_space<vmem>>) dst(%dma_wait3A_98 : memref<10000x128xf32, #tpu.memory_space<vmem_shared>>)
    %dma_start3A_99 = arith.constant 9888 : i32
    %dma_start3A_100 = tpu.memref_slice %arg8[%dma_start3A_99] : memref<10000xi32, #tpu.memory_space<vmem>> -> memref<96xi32, #tpu.memory_space<vmem>>
    %dma_start3A_101 = arith.constant 0 : i32
    %dma_start3A_102 = arith.constant 0 : i32
    %dma_start3A_103 = tpu.memref_slice %arg2[%dma_start3A_101, %dma_start3A_102] : memref<270000x128xf32, #tpu.memory_space<hbm>> -> memref<270000x128xf32, #tpu.memory_space<hbm>>
    tpu.enqueue_indirect_dma source(%dma_start3A_103 : memref<270000x128xf32, #tpu.memory_space<hbm>>) target(%arg13 : memref<96x128xf32, #tpu.memory_space<vmem>>) offsets(%dma_start3A_100 : memref<96xi32, #tpu.memory_space<vmem>>) semaphore(%arg18 : memref<!tpu.dma_semaphore, #tpu.memory_space<semaphore_mem>>)
    %add3A_104 = arith.constant 9888 : i32
    %add3A_105 = arith.addi %mul3A_2, %add3A_104 : i32
    %dma_start3A_106 = tpu.memref_slice %arg4[%add3A_105] : memref<320000xi32, #tpu.memory_space<hbm>> -> memref<96xi32, #tpu.memory_space<hbm>>
    %dma_start3A_107 = tpu.memref_slice %arg4[%add3A_105] : memref<320000xi32, #tpu.memory_space<hbm>> -> memref<96xi32, #tpu.memory_space<hbm>>
    tpu.enqueue_dma source(%dma_start3A_107 : memref<96xi32, #tpu.memory_space<hbm>>) target(%arg10 : memref<96xi32, #tpu.memory_space<vmem>>) target_semaphore(%arg21 : memref<!tpu.dma_semaphore, #tpu.memory_space<semaphore_mem>>)
    %dma_wait3A_108 = arith.constant 0 : i32
    %dma_wait3A_109 = arith.constant 0 : i32
    %dma_wait3A_110 = tpu.memref_slice %arg7[%dma_wait3A_108, %dma_wait3A_109] : memref<10000x128xf32, #tpu.memory_space<vmem_shared>> -> memref<10000x128xf32, #tpu.memory_space<vmem_shared>>
    tpu.wait_indirect_dma semaphore(%arg25 : memref<!tpu.dma_semaphore, #tpu.memory_space<semaphore_mem>>) src(%arg14 : memref<96x128xf32, #tpu.memory_space<vmem>>) dst(%dma_wait3A_110 : memref<10000x128xf32, #tpu.memory_space<vmem_shared>>)
    %dma_wait3A_111 = arith.constant 9792 : i32
    %dma_wait3A_112 = tpu.memref_slice %arg8[%dma_wait3A_111] : memref<10000xi32, #tpu.memory_space<vmem>> -> memref<96xi32, #tpu.memory_space<vmem>>
    %dma_wait3A_113 = arith.constant 0 : i32
    %dma_wait3A_114 = arith.constant 0 : i32
    %dma_wait3A_115 = tpu.memref_slice %arg2[%dma_wait3A_113, %dma_wait3A_114] : memref<270000x128xf32, #tpu.memory_space<hbm>> -> memref<270000x128xf32, #tpu.memory_space<hbm>>
    tpu.wait_indirect_dma semaphore(%arg17 : memref<!tpu.dma_semaphore, #tpu.memory_space<semaphore_mem>>) src(%dma_wait3A_115 : memref<270000x128xf32, #tpu.memory_space<hbm>>) dst(%arg12 : memref<96x128xf32, #tpu.memory_space<vmem>>)
    %add3A_116 = arith.constant 9792 : i32
    %add3A_117 = arith.addi %mul3A_2, %add3A_116 : i32
    %dma_wait3A_118 = tpu.memref_slice %arg4[%add3A_117] : memref<320000xi32, #tpu.memory_space<hbm>> -> memref<96xi32, #tpu.memory_space<hbm>>
    %dma_wait3A_119 = tpu.memref_slice %arg4[%add3A_117] : memref<320000xi32, #tpu.memory_space<hbm>> -> memref<96xi32, #tpu.memory_space<hbm>>
    tpu.wait_dma2 semaphore(%arg20 : memref<!tpu.dma_semaphore, #tpu.memory_space<semaphore_mem>>) src(%dma_wait3A_119 : memref<96xi32, #tpu.memory_space<hbm>>) dst(%arg9 : memref<96xi32, #tpu.memory_space<vmem>>)
    %dma_start3A_120 = arith.constant 0 : i32
    %dma_start3A_121 = arith.constant 0 : i32
    %dma_start3A_122 = tpu.memref_slice %arg7[%dma_start3A_120, %dma_start3A_121] : memref<10000x128xf32, #tpu.memory_space<vmem_shared>> -> memref<10000x128xf32, #tpu.memory_space<vmem_shared>>
    tpu.enqueue_indirect_dma source(%arg12 : memref<96x128xf32, #tpu.memory_space<vmem>>) target(%dma_start3A_122 : memref<10000x128xf32, #tpu.memory_space<vmem_shared>>) offsets(%arg9 : memref<96xi32, #tpu.memory_space<vmem>>) semaphore(%arg23 : memref<!tpu.dma_semaphore, #tpu.memory_space<semaphore_mem>>) {add = true}
    %dma_wait3A_123 = arith.constant 9888 : i32
    %dma_wait3A_124 = tpu.memref_slice %arg8[%dma_wait3A_123] : memref<10000xi32, #tpu.memory_space<vmem>> -> memref<96xi32, #tpu.memory_space<vmem>>
    %dma_wait3A_125 = arith.constant 0 : i32
    %dma_wait3A_126 = arith.constant 0 : i32
    %dma_wait3A_127 = tpu.memref_slice %arg2[%dma_wait3A_125, %dma_wait3A_126] : memref<270000x128xf32, #tpu.memory_space<hbm>> -> memref<270000x128xf32, #tpu.memory_space<hbm>>
    tpu.wait_indirect_dma semaphore(%arg18 : memref<!tpu.dma_semaphore, #tpu.memory_space<semaphore_mem>>) src(%dma_wait3A_127 : memref<270000x128xf32, #tpu.memory_space<hbm>>) dst(%arg13 : memref<96x128xf32, #tpu.memory_space<vmem>>)
    %add3A_128 = arith.constant 9888 : i32
    %add3A_129 = arith.addi %mul3A_2, %add3A_128 : i32
    %dma_wait3A_130 = tpu.memref_slice %arg4[%add3A_129] : memref<320000xi32, #tpu.memory_space<hbm>> -> memref<96xi32, #tpu.memory_space<hbm>>
    %dma_wait3A_131 = tpu.memref_slice %arg4[%add3A_129] : memref<320000xi32, #tpu.memory_space<hbm>> -> memref<96xi32, #tpu.memory_space<hbm>>
    tpu.wait_dma2 semaphore(%arg21 : memref<!tpu.dma_semaphore, #tpu.memory_space<semaphore_mem>>) src(%dma_wait3A_131 : memref<96xi32, #tpu.memory_space<hbm>>) dst(%arg10 : memref<96xi32, #tpu.memory_space<vmem>>)
    %dma_start3A_132 = arith.constant 0 : i32
    %dma_start3A_133 = arith.constant 0 : i32
    %dma_start3A_134 = tpu.memref_slice %arg7[%dma_start3A_132, %dma_start3A_133] : memref<10000x128xf32, #tpu.memory_space<vmem_shared>> -> memref<10000x128xf32, #tpu.memory_space<vmem_shared>>
    tpu.enqueue_indirect_dma source(%arg13 : memref<96x128xf32, #tpu.memory_space<vmem>>) target(%dma_start3A_134 : memref<10000x128xf32, #tpu.memory_space<vmem_shared>>) offsets(%arg10 : memref<96xi32, #tpu.memory_space<vmem>>) semaphore(%arg24 : memref<!tpu.dma_semaphore, #tpu.memory_space<semaphore_mem>>) {add = true}
    %dma_wait3A_135 = arith.constant 9984 : i32
    %dma_wait3A_136 = tpu.memref_slice %arg8[%dma_wait3A_135] : memref<10000xi32, #tpu.memory_space<vmem>> -> memref<16xi32, #tpu.memory_space<vmem>>
    %dma_wait3A_137 = arith.constant 0 : i32
    %dma_wait3A_138 = arith.constant 0 : i32
    %dma_wait3A_139 = tpu.memref_slice %arg2[%dma_wait3A_137, %dma_wait3A_138] : memref<270000x128xf32, #tpu.memory_space<hbm>> -> memref<270000x128xf32, #tpu.memory_space<hbm>>
    tpu.wait_indirect_dma semaphore(%arg26 : memref<!tpu.dma_semaphore, #tpu.memory_space<semaphore_mem>>) src(%dma_wait3A_139 : memref<270000x128xf32, #tpu.memory_space<hbm>>) dst(%arg16 : memref<16x128xf32, #tpu.memory_space<vmem>>)
    %add3A_140 = arith.constant 9984 : i32
    %add3A_141 = arith.addi %mul3A_2, %add3A_140 : i32
    %dma_wait3A_142 = tpu.memref_slice %arg4[%add3A_141] : memref<320000xi32, #tpu.memory_space<hbm>> -> memref<16xi32, #tpu.memory_space<hbm>>
    %dma_wait3A_143 = tpu.memref_slice %arg4[%add3A_141] : memref<320000xi32, #tpu.memory_space<hbm>> -> memref<16xi32, #tpu.memory_space<hbm>>
    tpu.wait_dma2 semaphore(%arg27 : memref<!tpu.dma_semaphore, #tpu.memory_space<semaphore_mem>>) src(%dma_wait3A_143 : memref<16xi32, #tpu.memory_space<hbm>>) dst(%arg15 : memref<16xi32, #tpu.memory_space<vmem>>)
    "tpu.region"() ({
      %run_scoped3A = tpu.sem_alloc : memref<!tpu.dma_semaphore, #tpu.memory_space<semaphore_mem>>
      %dma_start3A_161 = arith.constant 0 : i32
      %dma_start3A_162 = arith.constant 0 : i32
      %dma_start3A_163 = tpu.memref_slice %arg7[%dma_start3A_161, %dma_start3A_162] : memref<10000x128xf32, #tpu.memory_space<vmem_shared>> -> memref<10000x128xf32, #tpu.memory_space<vmem_shared>>
      tpu.enqueue_indirect_dma source(%arg16 : memref<16x128xf32, #tpu.memory_space<vmem>>) target(%dma_start3A_163 : memref<10000x128xf32, #tpu.memory_space<vmem_shared>>) offsets(%arg15 : memref<16xi32, #tpu.memory_space<vmem>>) semaphore(%run_scoped3A : memref<!tpu.dma_semaphore, #tpu.memory_space<semaphore_mem>>) {add = true}
      %dma_wait3A_164 = arith.constant 0 : i32
      %dma_wait3A_165 = arith.constant 0 : i32
      %dma_wait3A_166 = tpu.memref_slice %arg7[%dma_wait3A_164, %dma_wait3A_165] : memref<10000x128xf32, #tpu.memory_space<vmem_shared>> -> memref<10000x128xf32, #tpu.memory_space<vmem_shared>>
      tpu.wait_indirect_dma semaphore(%run_scoped3A : memref<!tpu.dma_semaphore, #tpu.memory_space<semaphore_mem>>) src(%arg16 : memref<16x128xf32, #tpu.memory_space<vmem>>) dst(%dma_wait3A_166 : memref<10000x128xf32, #tpu.memory_space<vmem_shared>>)
      tpu.yield
    }) : () -> ()
    %dma_wait3A_144 = arith.constant 0 : i32
    %dma_wait3A_145 = arith.constant 0 : i32
    %dma_wait3A_146 = tpu.memref_slice %arg7[%dma_wait3A_144, %dma_wait3A_145] : memref<10000x128xf32, #tpu.memory_space<vmem_shared>> -> memref<10000x128xf32, #tpu.memory_space<vmem_shared>>
    tpu.wait_indirect_dma semaphore(%arg23 : memref<!tpu.dma_semaphore, #tpu.memory_space<semaphore_mem>>) src(%arg12 : memref<96x128xf32, #tpu.memory_space<vmem>>) dst(%dma_wait3A_146 : memref<10000x128xf32, #tpu.memory_space<vmem_shared>>)
    %dma_wait3A_147 = arith.constant 0 : i32
    %dma_wait3A_148 = arith.constant 0 : i32
    %dma_wait3A_149 = tpu.memref_slice %arg7[%dma_wait3A_147, %dma_wait3A_148] : memref<10000x128xf32, #tpu.memory_space<vmem_shared>> -> memref<10000x128xf32, #tpu.memory_space<vmem_shared>>
    tpu.wait_indirect_dma semaphore(%arg24 : memref<!tpu.dma_semaphore, #tpu.memory_space<semaphore_mem>>) src(%arg13 : memref<96x128xf32, #tpu.memory_space<vmem>>) dst(%dma_wait3A_149 : memref<10000x128xf32, #tpu.memory_space<vmem_shared>>)
    %barrier3A_150 = arith.constant 0 : index
    tpu.barrier barrier_id(%barrier3A_150)
    %lt3A_151 = arith.constant 15 : i32
    %lt3A_152 = arith.cmpi slt, %arg1, %lt3A_151 : i32
    %convert_element_type3A_153 = arith.extui %lt3A_152 : i1 to i32
    %cond3A_154 = arith.constant 0 : i32
    %cond3A_155 = arith.cmpi ne, %convert_element_type3A_153, %cond3A_154 : i32
    scf.if %cond3A_155 {
      %mul3A_161 = arith.constant 624 : i32
      %mul3A_162 = arith.muli %arg1, %mul3A_161 : i32
      %mul3A_163 = arith.constant 624 : i32
      %mul3A_164 = arith.muli %arg1, %mul3A_163 : i32
      "tpu.region"() ({
        %run_scoped3A = tpu.sem_alloc : memref<!tpu.dma_semaphore, #tpu.memory_space<semaphore_mem>>
        %dma_start3A_165 = arith.constant 0 : i32
        %dma_start3A_166 = arith.constant 0 : i32
        %dma_start3A_167 = tpu.memref_slice %arg6[%arg0, %dma_start3A_165, %dma_start3A_166] : memref<2x10000x128xf32, #tpu.memory_space<hbm>> -> memref<1x10000x128xf32, #tpu.memory_space<hbm>>
        %dma_start3A_168 = tpu.memref_squeeze %dma_start3A_167 : memref<1x10000x128xf32, #tpu.memory_space<hbm>> -> memref<10000x128xf32, #tpu.memory_space<hbm>>
        %dma_start3A_169 = arith.constant 0 : i32
        %dma_start3A_170 = tpu.memref_slice %dma_start3A_168[%mul3A_164, %dma_start3A_169] : memref<10000x128xf32, #tpu.memory_space<hbm>> -> memref<624x128xf32, #tpu.memory_space<hbm>>
        %dma_start3A_171 = arith.constant 0 : i32
        %dma_start3A_172 = tpu.memref_slice %arg7[%mul3A_162, %dma_start3A_171] : memref<10000x128xf32, #tpu.memory_space<vmem_shared>> -> memref<624x128xf32, #tpu.memory_space<vmem_shared>>
        tpu.enqueue_dma source(%dma_start3A_172 : memref<624x128xf32, #tpu.memory_space<vmem_shared>>) target(%dma_start3A_170 : memref<624x128xf32, #tpu.memory_space<hbm>>) target_semaphore(%run_scoped3A : memref<!tpu.dma_semaphore, #tpu.memory_space<semaphore_mem>>)
        %dma_wait3A_173 = arith.constant 0 : i32
        %dma_wait3A_174 = arith.constant 0 : i32
        %dma_wait3A_175 = tpu.memref_slice %arg6[%arg0, %dma_wait3A_173, %dma_wait3A_174] : memref<2x10000x128xf32, #tpu.memory_space<hbm>> -> memref<1x10000x128xf32, #tpu.memory_space<hbm>>
        %dma_wait3A_176 = tpu.memref_squeeze %dma_wait3A_175 : memref<1x10000x128xf32, #tpu.memory_space<hbm>> -> memref<10000x128xf32, #tpu.memory_space<hbm>>
        %dma_wait3A_177 = arith.constant 0 : i32
        %dma_wait3A_178 = tpu.memref_slice %dma_wait3A_176[%mul3A_164, %dma_wait3A_177] : memref<10000x128xf32, #tpu.memory_space<hbm>> -> memref<624x128xf32, #tpu.memory_space<hbm>>
        %dma_wait3A_179 = arith.constant 0 : i32
        %dma_wait3A_180 = tpu.memref_slice %arg7[%mul3A_162, %dma_wait3A_179] : memref<10000x128xf32, #tpu.memory_space<vmem_shared>> -> memref<624x128xf32, #tpu.memory_space<vmem_shared>>
        tpu.wait_dma2 semaphore(%run_scoped3A : memref<!tpu.dma_semaphore, #tpu.memory_space<semaphore_mem>>) src(%dma_wait3A_180 : memref<624x128xf32, #tpu.memory_space<vmem_shared>>) dst(%dma_wait3A_178 : memref<624x128xf32, #tpu.memory_space<hbm>>)
        tpu.yield
      }) : () -> ()
    } else {
    }
    %eq3A_156 = arith.constant 15 : i32
    %eq3A_157 = arith.cmpi eq, %arg1, %eq3A_156 : i32
    %convert_element_type3A_158 = arith.extui %eq3A_157 : i1 to i32
    %cond3A_159 = arith.constant 0 : i32
    %cond3A_160 = arith.cmpi ne, %convert_element_type3A_158, %cond3A_159 : i32
    scf.if %cond3A_160 {
      "tpu.region"() ({
        %run_scoped3A = tpu.sem_alloc : memref<!tpu.dma_semaphore, #tpu.memory_space<semaphore_mem>>
        %dma_start3A_161 = arith.constant 0 : i32
        %dma_start3A_162 = arith.constant 0 : i32
        %dma_start3A_163 = tpu.memref_slice %arg6[%arg0, %dma_start3A_161, %dma_start3A_162] : memref<2x10000x128xf32, #tpu.memory_space<hbm>> -> memref<1x10000x128xf32, #tpu.memory_space<hbm>>
        %dma_start3A_164 = tpu.memref_squeeze %dma_start3A_163 : memref<1x10000x128xf32, #tpu.memory_space<hbm>> -> memref<10000x128xf32, #tpu.memory_space<hbm>>
        %dma_start3A_165 = arith.constant 9360 : i32
        %dma_start3A_166 = arith.constant 0 : i32
        %dma_start3A_167 = tpu.memref_slice %dma_start3A_164[%dma_start3A_165, %dma_start3A_166] : memref<10000x128xf32, #tpu.memory_space<hbm>> -> memref<640x128xf32, #tpu.memory_space<hbm>>
        %dma_start3A_168 = arith.constant 9360 : i32
        %dma_start3A_169 = arith.constant 0 : i32
        %dma_start3A_170 = tpu.memref_slice %arg7[%dma_start3A_168, %dma_start3A_169] : memref<10000x128xf32, #tpu.memory_space<vmem_shared>> -> memref<640x128xf32, #tpu.memory_space<vmem_shared>>
        tpu.enqueue_dma source(%dma_start3A_170 : memref<640x128xf32, #tpu.memory_space<vmem_shared>>) target(%dma_start3A_167 : memref<640x128xf32, #tpu.memory_space<hbm>>) target_semaphore(%run_scoped3A : memref<!tpu.dma_semaphore, #tpu.memory_space<semaphore_mem>>)
        %dma_wait3A_171 = arith.constant 0 : i32
        %dma_wait3A_172 = arith.constant 0 : i32
        %dma_wait3A_173 = tpu.memref_slice %arg6[%arg0, %dma_wait3A_171, %dma_wait3A_172] : memref<2x10000x128xf32, #tpu.memory_space<hbm>> -> memref<1x10000x128xf32, #tpu.memory_space<hbm>>
        %dma_wait3A_174 = tpu.memref_squeeze %dma_wait3A_173 : memref<1x10000x128xf32, #tpu.memory_space<hbm>> -> memref<10000x128xf32, #tpu.memory_space<hbm>>
        %dma_wait3A_175 = arith.constant 9360 : i32
        %dma_wait3A_176 = arith.constant 0 : i32
        %dma_wait3A_177 = tpu.memref_slice %dma_wait3A_174[%dma_wait3A_175, %dma_wait3A_176] : memref<10000x128xf32, #tpu.memory_space<hbm>> -> memref<640x128xf32, #tpu.memory_space<hbm>>
        %dma_wait3A_178 = arith.constant 9360 : i32
        %dma_wait3A_179 = arith.constant 0 : i32
        %dma_wait3A_180 = tpu.memref_slice %arg7[%dma_wait3A_178, %dma_wait3A_179] : memref<10000x128xf32, #tpu.memory_space<vmem_shared>> -> memref<640x128xf32, #tpu.memory_space<vmem_shared>>
        tpu.wait_dma2 semaphore(%run_scoped3A : memref<!tpu.dma_semaphore, #tpu.memory_space<semaphore_mem>>) src(%dma_wait3A_180 : memref<640x128xf32, #tpu.memory_space<vmem_shared>>) dst(%dma_wait3A_177 : memref<640x128xf32, #tpu.memory_space<hbm>>)
        tpu.yield
      }) : () -> ()
    } else {
    }
    return
  }
}

module attributes {stable_mosaic.version = 14 : i64} {
  func.func @_combine_bn_body(%arg0: memref<2x10000x128xf32, #tpu.memory_space<vmem>>, %arg1: memref<1x128xf32, #tpu.memory_space<vmem>>, %arg2: memref<1x128xf32, #tpu.memory_space<vmem>>, %arg3: memref<10000x128xf32, #tpu.memory_space<vmem>>) attributes {dimension_semantics = [], scalar_prefetch = 0 : i64, scratch_operands = 0 : i64, tpu.core_type = #tpu.core_type<tc>} {
    %get3A = arith.constant 0 : index
    %get3A_0 = arith.constant 0 : index
    %get3A_1 = arith.constant 0 : index
    %get3A_2 = vector.load %arg0[%get3A, %get3A_0, %get3A_1] : memref<2x10000x128xf32, #tpu.memory_space<vmem>>, vector<1x10000x128xf32>
    %get3A_3 = vector.shape_cast %get3A_2 : vector<1x10000x128xf32> to vector<10000x128xf32>
    %get3A_4 = arith.constant 1 : index
    %get3A_5 = arith.constant 0 : index
    %get3A_6 = arith.constant 0 : index
    %get3A_7 = vector.load %arg0[%get3A_4, %get3A_5, %get3A_6] : memref<2x10000x128xf32, #tpu.memory_space<vmem>>, vector<1x10000x128xf32>
    %get3A_8 = vector.shape_cast %get3A_7 : vector<1x10000x128xf32> to vector<10000x128xf32>
    %add3A = arith.addf %get3A_3, %get3A_8 : vector<10000x128xf32>
    %reduce_sum3A = arith.constant dense<0.000000e+00> : vector<128xf32>
    %reduce_sum3A_9 = vector.multi_reduction <add>, %add3A, %reduce_sum3A [0] : vector<10000x128xf32> to vector<128xf32>
    %broadcast_in_dim3A = vector.shape_cast %reduce_sum3A_9 : vector<128xf32> to vector<1x128xf32>
    %div3A = arith.constant 1.000000e+04 : f32
    %div3A_10 = vector.broadcast %div3A : f32 to vector<1x128xf32>
    %div3A_11 = arith.divf %broadcast_in_dim3A, %div3A_10 : vector<1x128xf32>
    %mul3A = arith.mulf %add3A, %add3A : vector<10000x128xf32>
    %reduce_sum3A_12 = arith.constant dense<0.000000e+00> : vector<128xf32>
    %reduce_sum3A_13 = vector.multi_reduction <add>, %mul3A, %reduce_sum3A_12 [0] : vector<10000x128xf32> to vector<128xf32>
    %broadcast_in_dim3A_14 = vector.shape_cast %reduce_sum3A_13 : vector<128xf32> to vector<1x128xf32>
    %div3A_15 = arith.constant 1.000000e+04 : f32
    %div3A_16 = vector.broadcast %div3A_15 : f32 to vector<1x128xf32>
    %div3A_17 = arith.divf %broadcast_in_dim3A_14, %div3A_16 : vector<1x128xf32>
    %mul3A_18 = arith.mulf %div3A_11, %div3A_11 : vector<1x128xf32>
    %sub3A = arith.subf %div3A_17, %mul3A_18 : vector<1x128xf32>
    %add3A_19 = arith.constant 9.99999974E-6 : f32
    %add3A_20 = vector.broadcast %add3A_19 : f32 to vector<1x128xf32>
    %add3A_21 = arith.addf %sub3A, %add3A_20 : vector<1x128xf32>
    %rsqrt3A = math.rsqrt %add3A_21 : vector<1x128xf32>
    %get3A_22 = arith.constant 0 : index
    %get3A_23 = arith.constant 0 : index
    %get3A_24 = vector.load %arg1[%get3A_22, %get3A_23] : memref<1x128xf32, #tpu.memory_space<vmem>>, vector<1x128xf32>
    %mul3A_25 = arith.mulf %rsqrt3A, %get3A_24 : vector<1x128xf32>
    %sub3A_26 = vector.broadcast %div3A_11 : vector<1x128xf32> to vector<10000x128xf32>
    %sub3A_27 = arith.subf %add3A, %sub3A_26 : vector<10000x128xf32>
    %mul3A_28 = vector.broadcast %mul3A_25 : vector<1x128xf32> to vector<10000x128xf32>
    %mul3A_29 = arith.mulf %sub3A_27, %mul3A_28 : vector<10000x128xf32>
    %get3A_30 = arith.constant 0 : index
    %get3A_31 = arith.constant 0 : index
    %get3A_32 = vector.load %arg2[%get3A_30, %get3A_31] : memref<1x128xf32, #tpu.memory_space<vmem>>, vector<1x128xf32>
    %add3A_33 = vector.broadcast %get3A_32 : vector<1x128xf32> to vector<10000x128xf32>
    %add3A_34 = arith.addf %mul3A_29, %add3A_33 : vector<10000x128xf32>
    %swap3A = arith.constant 0 : index
    %swap3A_35 = arith.constant 0 : index
    %swap3A_36 = vector.load %arg3[%swap3A, %swap3A_35] : memref<10000x128xf32, #tpu.memory_space<vmem>>, vector<10000x128xf32>
    tpu.vector_store %arg3[%swap3A, %swap3A_35], %add3A_34 {strides = array<i32>} : memref<10000x128xf32, #tpu.memory_space<vmem>>, vector<10000x128xf32>,
    return
  }
}

module attributes {stable_mosaic.version = 14 : i64} {
  func.func @_mm_prep_body(%arg0: i32, %arg1: memref<10000x128xf32, #tpu.memory_space<vmem>>, %arg2: memref<1x128x128xf32, #tpu.memory_space<vmem>>, %arg3: memref<2x320000xi32, #tpu.memory_space<vmem>>, %arg4: memref<320000xi32, #tpu.memory_space<vmem>>, %arg5: memref<10000x128xf32, #tpu.memory_space<vmem>>, %arg6: memref<320000xi32, #tpu.memory_space<vmem>>, %arg7: memref<320000xi32, #tpu.memory_space<vmem>>, %arg8: memref<640x128xf32, #tpu.memory_space<vmem>>) attributes {dimension_semantics = [#tpu.dimension_semantics<arbitrary>], iteration_bounds = array<i64: 27>, scalar_prefetch = 0 : i64, scratch_operands = 0 : i64, tpu.core_type = #tpu.core_type<tc>, window_params = [{pipeline_mode = #tpu.pipeline_mode<synchronous>, transform_indices = @transform_0, window_bounds = array<i64: 10000, 128>}, {transform_indices = @transform_1, window_bounds = array<i64: 1, 128, 128>}, {pipeline_mode = #tpu.pipeline_mode<synchronous>, transform_indices = @transform_2, window_bounds = array<i64: 2, 320000>}, {pipeline_mode = #tpu.pipeline_mode<synchronous>, transform_indices = @transform_3, window_bounds = array<i64: 320000>}, {transform_indices = @transform_4, window_bounds = array<i64: 10000, 128>}, {pipeline_mode = #tpu.pipeline_mode<synchronous>, transform_indices = @transform_5, window_bounds = array<i64: 320000>}, {pipeline_mode = #tpu.pipeline_mode<synchronous>, transform_indices = @transform_6, window_bounds = array<i64: 320000>}, {pipeline_mode = #tpu.pipeline_mode<synchronous>, transform_indices = @transform_7, window_bounds = array<i64: 640, 128>}]} {
    %get3A = arith.constant 0 : index
    %get3A_0 = arith.constant 0 : index
    %get3A_1 = vector.load %arg1[%get3A, %get3A_0] : memref<10000x128xf32, #tpu.memory_space<vmem>>, vector<10000x128xf32>
    %get3A_2 = arith.constant 0 : index
    %get3A_3 = arith.constant 0 : index
    %get3A_4 = arith.constant 0 : index
    %get3A_5 = vector.load %arg2[%get3A_2, %get3A_3, %get3A_4] : memref<1x128x128xf32, #tpu.memory_space<vmem>>, vector<1x128x128xf32>
    %get3A_6 = vector.shape_cast %get3A_5 : vector<1x128x128xf32> to vector<128x128xf32>
    %dot_general3A = arith.constant dense<0.000000e+00> : vector<10000x128xf32>
    %dot_general3A_7 = tpu.matmul %get3A_1, %get3A_6, %dot_general3A {dimension_numbers = #tpu.dot_dimension_numbers<[1], [0], [0], [1], [0, 0, 1, 1], [], []>, transpose_lhs_hint = false} : vector<10000x128xf32>, vector<128x128xf32>, vector<10000x128xf32> -> vector<10000x128xf32>
    %swap3A = arith.constant 0 : index
    %swap3A_8 = arith.constant 0 : index
    %swap3A_9 = vector.load %arg5[%swap3A, %swap3A_8] : memref<10000x128xf32, #tpu.memory_space<vmem>>, vector<10000x128xf32>
    tpu.vector_store %arg5[%swap3A, %swap3A_8], %dot_general3A_7 {strides = array<i32>} : memref<10000x128xf32, #tpu.memory_space<vmem>>, vector<10000x128xf32>,
    %eq3A = arith.constant 0 : i32
    %eq3A_10 = arith.cmpi eq, %arg0, %eq3A : i32
    %convert_element_type3A = arith.extui %eq3A_10 : i1 to i32
    %cond3A = arith.constant 0 : i32
    %cond3A_11 = arith.cmpi ne, %convert_element_type3A, %cond3A : i32
    scf.if %cond3A_11 {
      %get3A_12 = arith.constant 0 : index
      %get3A_13 = vector.load %arg4[%get3A_12] : memref<320000xi32, #tpu.memory_space<vmem>>, vector<320000xi32>
      %mul3A = arith.constant 10000 : i32
      %mul3A_14 = vector.broadcast %mul3A : i32 to vector<320000xi32>
      %mul3A_15 = arith.muli %get3A_13, %mul3A_14 : vector<320000xi32>
      %get3A_16 = arith.constant 0 : index
      %get3A_17 = arith.constant 0 : index
      %get3A_18 = vector.load %arg3[%get3A_16, %get3A_17] : memref<2x320000xi32, #tpu.memory_space<vmem>>, vector<1x320000xi32>
      %get3A_19 = vector.shape_cast %get3A_18 : vector<1x320000xi32> to vector<320000xi32>
      %add3A = arith.addi %mul3A_15, %get3A_19 : vector<320000xi32>
      %swap3A_20 = arith.constant 0 : index
      %swap3A_21 = vector.load %arg6[%swap3A_20] : memref<320000xi32, #tpu.memory_space<vmem>>, vector<320000xi32>
      tpu.vector_store %arg6[%swap3A_20], %add3A {strides = array<i32>} : memref<320000xi32, #tpu.memory_space<vmem>>, vector<320000xi32>,
      %get3A_22 = arith.constant 1 : index
      %get3A_23 = arith.constant 0 : index
      %get3A_24 = vector.load %arg3[%get3A_22, %get3A_23] : memref<2x320000xi32, #tpu.memory_space<vmem>>, vector<1x320000xi32>
      %get3A_25 = vector.shape_cast %get3A_24 : vector<1x320000xi32> to vector<320000xi32>
      %swap3A_26 = arith.constant 0 : index
      %swap3A_27 = vector.load %arg7[%swap3A_26] : memref<320000xi32, #tpu.memory_space<vmem>>, vector<320000xi32>
      tpu.vector_store %arg7[%swap3A_26], %get3A_25 {strides = array<i32>} : memref<320000xi32, #tpu.memory_space<vmem>>, vector<320000xi32>,
      %broadcast_in_dim3A = arith.constant 0.000000e+00 : f32
      %broadcast_in_dim3A_28 = vector.broadcast %broadcast_in_dim3A : f32 to vector<640x128xf32>
      %swap3A_29 = arith.constant 0 : index
      %swap3A_30 = arith.constant 0 : index
      %swap3A_31 = vector.load %arg8[%swap3A_29, %swap3A_30] : memref<640x128xf32, #tpu.memory_space<vmem>>, vector<640x128xf32>
      tpu.vector_store %arg8[%swap3A_29, %swap3A_30], %broadcast_in_dim3A_28 {strides = array<i32>} : memref<640x128xf32, #tpu.memory_space<vmem>>, vector<640x128xf32>,
    } else {
    }
    return
  }
  func.func @transform_0(%arg0: i32) -> (i32, i32) {
    %c0_i32 = arith.constant 0 : i32
    %c0_i32_0 = arith.constant 0 : i32
    %c0_i32_1 = arith.constant 0 : i32
    return %c0_i32, %c0_i32_0 : i32, i32
  }
  func.func @transform_1(%arg0: i32) -> (i32, i32, i32) {
    %c0_i32 = arith.constant 0 : i32
    %c0_i32_0 = arith.constant 0 : i32
    %c0_i32_1 = arith.constant 0 : i32
    return %arg0, %c0_i32, %c0_i32_0 : i32, i32, i32
  }
  func.func @transform_2(%arg0: i32) -> (i32, i32) {
    %c0_i32 = arith.constant 0 : i32
    %c0_i32_0 = arith.constant 0 : i32
    %c0_i32_1 = arith.constant 0 : i32
    return %c0_i32, %c0_i32_0 : i32, i32
  }
  func.func @transform_3(%arg0: i32) -> i32 {
    %c0_i32 = arith.constant 0 : i32
    %c0_i32_0 = arith.constant 0 : i32
    return %c0_i32 : i32
  }
  func.func @transform_4(%arg0: i32) -> (i32, i32) {
    %c0_i32 = arith.constant 0 : i32
    %c0_i32_0 = arith.constant 0 : i32
    return %arg0, %c0_i32 : i32, i32
  }
  func.func @transform_5(%arg0: i32) -> i32 {
    %c0_i32 = arith.constant 0 : i32
    %c0_i32_0 = arith.constant 0 : i32
    return %c0_i32 : i32
  }
  func.func @transform_6(%arg0: i32) -> i32 {
    %c0_i32 = arith.constant 0 : i32
    %c0_i32_0 = arith.constant 0 : i32
    return %c0_i32 : i32
  }
  func.func @transform_7(%arg0: i32) -> (i32, i32) {
    %c0_i32 = arith.constant 0 : i32
    %c0_i32_0 = arith.constant 0 : i32
    %c0_i32_1 = arith.constant 0 : i32
    return %c0_i32, %c0_i32_0 : i32, i32
  }
}

</mosaic_0001>

<sc_bundles>
// kernel: kernel.5.cloned.1.call-start
scs
__scs_entry_jumppad:
0x0: {  	(pc) =	sbr.rel $0x88, $3  }
0x1: {  	(tag) =	ssettag $0x0;
	lr =	simm.s32 $0x1  }
0x2: {  	[smem:$0x3F9B] =	sst lr;
	_ =	strace $0xD0000000  }
0x3: {  	_ = 	snop  }
0x4: {  	_ = 	snop  }
0x5: {  	_ = 	snop  }
0x6: {  	_ = 	snop  }
0x7: {  	_ = 	snop  }
__scs_overlays_trampoline_lowered:
0x8: {  	[smem:$0x3FAA] =	sst s0  }
0x9: {  	[smem:$0x3FAB] =	sst s1  }
0xa: {  	[smem:$0x3FAC] =	sst s2  }
0xb: {  	[smem:$0x3FAD] =	sst s3  }
0xc: {  	[smem:$0x3FAE] =	sst s4  }
0xd: {  	[smem:$0x3FAF] =	sst s5  }
0xe: {  	[smem:$0x3FB0] =	sst s6  }
0xf: {  	[smem:$0x3FB1] =	sst s7  }
0x10: {  	[smem:$0x3FB2] =	sst s8  }
0x11: {  	[smem:$0x3FB3] =	sst s9;
	s0 =	simm.s32 @!p0 $0x0  }
0x12: {  	s1 =	sld [smem:$0x3F99];
	s0 =	simm.s32 @p0 $0x1  }
0x13: {  	[smem:$0x3FB4] =	sst s0;
	s0 =	simm.s32 @!p1 $0x0  }
0x14: {  	s2 =	sld [smem:$0x3F98];
	s0 =	simm.s32 @p1 $0x1  }
0x15: {  	[smem:$0x3FB5] =	sst s0;
	s0 =	simm.s32 @!p2 $0x0  }
0x16: {  	s3 =	sld [smem:$0x3FDB];
	s0 =	simm.s32 @p2 $0x1  }
0x17: {  	s4 =	simm.s32 $0x1BF5;
	[smem:$0x3FB7] =	sst s0  }
0x18: {  	s0 =	sld [smem:$0x3F9A];
	_ =	swait.ge [sflag:s4], $0x0  }
0x19: {  	s7 =	sld [smem:$0x3F9B]  }
0x1a: {  	s8 =	sadd.s32 $0xFFFFE003, lr  }
0x1b: {  	s9 =	sadd.s32 $0xFFFFFEF7, lr;
	s5 =	simm.s32 $0xFFFFFFFF;
	p2 =	slt.u32 s8, $0xFFFFF086  }
0x1c: {  	p1 =	slt.u32 s9, $0xF7A;
	s5 =	simm.s32 @!p2 $0x0  }
0x1d: {  	s5 =	simm.s32 @p1 $0x1;
	p0 =	seq.s32 s7, s2  }
0x1e: {  	s7 =	smul.u32 @!p0 $0xF7A, s2;
	p2 =	seq.s32 @!p0 s5, $0x0  }
0x1f: {  	s9 =	smul.u32 $0xF7A, s1;
	s8 =	simm.s32 @!p0 $0x1BF5;
	p2 =	por !p2, p0  }
0x20: {  	[sflag:s8] =	ssyncset.s32 @!p0 $0xFFFFF086;
	s6 =	sadd.s32 @!p0 s3, s7;
	s7 =	simm.s32 @!p0 $0x108  }
0x21: {  	s3 =	sadd.s32 s3, s9;
	s6 =	sadd.s32 @!p0 $0x88, s6;
	s7 =	simm.s32 @p2 $0x1082  }
0x22: {  	[simem:s7], [sflag:s8] =	dma.local @!p0 [hbm:s6], $0xF7A  }
0x23: {  	s9 =	sor.u32 $0xD0000000, s2;
	s6 =	simm.s32 $0x108;
	_ =	swait.ge @!p0 [sflag:s8], $0x0  }
0x24: {  	s3 =	sadd.s32 $0x88, s3;
	s6 =	simm.s32 @!p1 $0x1082;
	[sflag:s4] =	ssyncset.s32 $0xFFFFF086  }
0x25: {  	[simem:s6], [sflag:s4] =	dma.local [hbm:s3], $0xF7A  }
0x26: {  	[smem:$0x3F9B] =	sst s1;
	(tag) =	ssettag s2;
	_ =	strace s9  }
0x27: {  	s1 =	sld [smem:$0x3FAB]  }
0x28: {  	s2 =	sld [smem:$0x3FAC]  }
0x29: {  	s4 =	sld [smem:$0x3FAE]  }
0x2a: {  	p0 =	seq.s32 s5, $0x0;
	s5 =	sld [smem:$0x3FAF]  }
0x2b: {  	s6 =	sld [smem:$0x3FB0]  }
0x2c: {  	s7 =	sld [smem:$0x3FB1]  }
0x2d: {  	s3 =	simm.s32 $0x108;
	s8 =	sld [smem:$0x3FB2]  }
0x2e: {  	s3 =	simm.s32 @!p0 $0x1082;
	s9 =	sld [smem:$0x3FB3]  }
0x2f: {  	lr =	sadd.s32 s0, s3;
	s0 =	sld [smem:$0x3FAA]  }
0x30: {  	s3 =	sld [smem:$0x3FAD]  }
0x31: {  	[smem:$0x3FB6] =	sst s10  }
0x32: {  	s10 =	sld [smem:$0x3FB4];
	_ =	sdelay $0x3  }
0x33: {  	p0 =	seq.s32 s10, $0x1;
	s10 =	sld [smem:$0x3FB6];
	_ =	sdelay $0x3  }
0x34: {  	[smem:$0x3FB6] =	sst s10  }
0x35: {  	s10 =	sld [smem:$0x3FB5];
	_ =	sdelay $0x3  }
0x36: {  	p1 =	seq.s32 s10, $0x1;
	s10 =	sld [smem:$0x3FB6];
	_ =	sdelay $0x3  }
0x37: {  	[smem:$0x3FB6] =	sst s10  }
0x38: {  	s10 =	sld [smem:$0x3FB7]  }
0x39: {  	_ = 	snop;
	(pc) =	sbr.ind lr, $3  }
0x3a: {  	_ = 	snop  }
0x3b: {  	_ = 	snop  }
0x3c: {  	p2 =	seq.s32 s10, $0x1;
	s10 =	sld [smem:$0x3FB6]  }
0x3d: {  	_ =	shalt  }
0x3e: {  	_ =	shalt  }
0x3f: {  	_ =	shalt  }
0x40: {  	_ =	shalt  }
0x41: {  	_ =	shalt  }
0x42: {  	_ =	shalt  }
0x43: {  	_ =	shalt  }
0x44: {  	_ =	shalt  }
0x45: {  	_ =	shalt  }
0x46: {  	_ =	shalt  }
0x47: {  	_ =	shalt  }
0x48: {  	_ =	shalt  }
0x49: {  	_ =	shalt  }
0x4a: {  	_ =	shalt  }
0x4b: {  	_ =	shalt  }
0x4c: {  	_ =	shalt  }
0x4d: {  	_ =	shalt  }
0x4e: {  	_ =	shalt  }
0x4f: {  	_ =	shalt  }
0x50: {  	_ =	shalt  }
0x51: {  	_ =	shalt  }
0x52: {  	_ =	shalt  }
0x53: {  	_ =	shalt  }
0x54: {  	_ =	shalt  }
0x55: {  	_ =	shalt  }
0x56: {  	_ =	shalt  }
0x57: {  	_ =	shalt  }
0x58: {  	_ =	shalt  }
0x59: {  	_ =	shalt  }
0x5a: {  	_ =	shalt  }
0x5b: {  	_ =	shalt  }
0x5c: {  	_ =	shalt  }
0x5d: {  	_ =	shalt  }
0x5e: {  	_ =	shalt  }
0x5f: {  	_ =	shalt  }
0x60: {  	_ =	shalt  }
0x61: {  	_ =	shalt  }
0x62: {  	_ =	shalt  }
0x63: {  	_ =	shalt  }
0x64: {  	_ =	shalt  }
0x65: {  	_ =	shalt  }
0x66: {  	_ =	shalt  }
0x67: {  	_ =	shalt  }
0x68: {  	_ =	shalt  }
0x69: {  	_ =	shalt  }
0x6a: {  	_ =	shalt  }
0x6b: {  	_ =	shalt  }
0x6c: {  	_ =	shalt  }
0x6d: {  	_ =	shalt  }
0x6e: {  	_ =	shalt  }
0x6f: {  	_ =	shalt  }
0x70: {  	_ =	shalt  }
0x71: {  	_ =	shalt  }
0x72: {  	_ =	shalt  }
0x73: {  	_ =	shalt  }
0x74: {  	_ =	shalt  }
0x75: {  	_ =	shalt  }
0x76: {  	_ =	shalt  }
0x77: {  	_ =	shalt  }
0x78: {  	_ =	shalt  }
0x79: {  	_ =	shalt  }
0x7a: {  	_ =	shalt  }
0x7b: {  	_ =	shalt  }
0x7c: {  	_ =	shalt  }
0x7d: {  	_ =	shalt  }
0x7e: {  	_ =	shalt  }
0x7f: {  	_ =	shalt  }
0x80: {  	_ =	shalt  }
0x81: {  	_ =	shalt  }
0x82: {  	_ =	shalt  }
0x83: {  	_ =	shalt  }
0x84: {  	_ =	shalt  }
0x85: {  	_ =	shalt  }
0x86: {  	_ =	shalt  }
0x87: {  	_ =	shalt  }
.Lfunc_end0:
.L_simem_size_0:
called_computation_lowered:
.L_overlay_start_0:
0x88: {  	s2 =	sld [smem:$0x3FD9]  }
0x89: {  	s3 =	sld [smem:$0x3FFE];
	_ =	sdelay $0x1  }
0x8a: {  	s1 =	srdreg.scid  }
0x8b: {  	s0 =	sand.u32 $0x1, s1  }
0x8c: {  	s17 =	sshll.u32 s0, $0xA;
	s2 =	sadd.s32 s3, s2  }
0x8d: {  	s2 =	sadd.s32 s2, s17  }
0x8e: {  	[smem:$0x3FC2] =	sst s2  }
0x8f: {  	_ = 	snop  }
0x90: {  	s2 =	sld [smem:$0x3FD0];
	(tm) =	ssettm $0x1  }
0x91: {  	s18 =	sld [smem:$0x3FFB];
	_ =	sdelay $0x3  }
0x92: {  	_ =	strace s18  }
0x93: {  	s3 =	sld [smem:$0x3FFC];
	_ =	sdelay $0x3  }
0x94: {  	_ =	strace s3  }
0x95: {  	s3 =	sld [smem:$0x3FFD];
	_ =	sdelay $0x3  }
0x96: {  	_ =	strace s3  }
0x97: {  	_ =	strace $0x8FFFFFFF  }
0x98: {  	s19 =	sld [smem:$0x3FDB];
	_ =	sdelay $0x1  }
0x99: {  	s4 =	simm.s32 $_scs_section_size  }
0x9a: {  	s5 =	simm.s32 $_size__tile_overlayer_lowered;
	s6 =	simm.s32 $_tile_overlayer_lowered  }
0x9b: {  	s22 =	simm.s32 $0x1BFF;
	s21 =	sshll.u32 s6, $0x1;
	s3 =	sadd.s32 s4, s19  }
0x9c: {  	s7 =	simm.s32 $0x0;
	s20 =	sshll.u32 s5, $0x1;
	s5 =	sadd.s32 s21, s3  }
0x9d: {  	[timem:s7], [sflag:s22] =	dma.local [hbm:s5], s20  }
0x9e: {  	_ =	swait.ge [sflag:s22], s20  }
0x9f: {  	s4 =	ssub.s32 $0x0, s20;
	[sflag:s22] =	ssyncset.done $0x0  }
0xa0: {  	[sflag:s22] =	ssyncadd.s32 s4;
	_ =	sdelay $0x1  }
0xa1: {  	s23 =	simm.s32 $0x1B8B  }
0xa2: {  	_ =	swait.ge [sflag:s23], $0x1  }
0xa3: {  	[sflag:s23] =	ssyncset.done $0x0  }
0xa4: {  	s25 =	simm.s32 $0x1B8E;
	s24 =	sld [smem:$0x3FFE];
	[sflag:s23] =	ssyncadd.s32 $0xFFFFFFFF  }
0xa5: {  	s26 =	simm.s32 $execute0_lowered;
	[smem:$0x3FD2] =	sst s25  }
0xa6: {  	s5 =	sshll.u32 s26, $0x1;
	_ =	strace $0x80000046;
	[dreg:$0x1] =	wrdreg $0xFFFFFFFF  }
0xa7: {  	s28 =	simm.s32 $_size_execute0_lowered;
	s3 =	sadd.s32 s3, s5;
	[dreg:$0x0] =	wrdreg $0x0  }
0xa8: {  	s5 =	sshll.u32 s28, $0x1;
	[dreg:$0x2] =	wrdreg s3  }
0xa9: {  	[dreg:$0x3] =	wrdreg s5  }
0xaa: {  	[dreg:$0x4] =	wrdreg $0xC0  }
0xab: {  	_ =	task [dreg:s7], $0x5FFFF  }
0xac: {  	[dreg:$0x1] =	wrdreg $0xFFFFFFFF  }
0xad: {  	[dreg:$0x0] =	wrdreg $0x60  }
0xae: {  	[dreg:$0x2] =	wrdreg s24  }
0xaf: {  	[dreg:$0x3] =	wrdreg s2  }
0xb0: {  	[dreg:$0x4] =	wrdreg $0x0  }
0xb1: {  	[dreg:$0x5] =	wrdreg $0x9  }
0xb2: {  	_ =	task.clear_ibuf [dreg:s7], $0x6FFFF;
	_ =	strace $0x90000046  }
0xb3: {  	s29 =	simm.s32 $0x9;
	_ =	strace $0x80000048  }
0xb4: {  	_ =	swait.ge [sflag:s29], $0x1  }
0xb5: {  	[sflag:s29] =	ssyncadd.s32 $0xFFFFFFFF  }
0xb6: {  	_ =	strace $0x90000048  }
0xb7: {  	_ =	sfence  }
0xb8: {  	s30 =	sld [smem:$0x0];
	_ =	sdelay $0x2  }
0xb9: {  	s31 =	sshll.u32 s1, $0xD;
	s1 =	sshrl.u32 s1, $0x2  }
0xba: {  	s3 =	sand.u32 $0x4000, s31;
	s1 =	sadd.s32 s1, s30  }
0xbb: {  	s0 =	sor.u32 s3, s0;
	s1 =	sshll.u32 s1, $0x11  }
0xbc: {  	s0 =	sor.u32 s1, s0  }
0xbd: {  	s0 =	sadd.s32 $0x8F2B, s0  }
0xbe: {  	[sflag:s0] =	ssyncadd.remote.s32 $0x1  }
0xbf: {  	_ =	sfence.sel $0xFFFF  }
0xc0: {  	[dreg:$0x0] =	wrdreg $0xFFFFFFFF;
	(pc) =	sbr.abs _section_cstart, $3  }
0xc1: {  	[dreg:$0x1] =	wrdreg $0xFFFFFFFF  }
0xc2: {  	_ =	task.clear_ibuf [dreg:s7], $0x2FFFF;
	_ =	strace $0x9FFFFFFF  }
0xc3: {  	(tm) =	ssettm $0x7FFFFFFF  }
tec
execute0_lowered:
.L_overlay_start_1:
0x0: {  	(tag) =	ssettag $0x1  }
0x1: {  	s0 =	rddreg [dreg:$0x0]  }
0x2: {  	s2 =	rddreg [dreg:$0x1]  }
0x3: {  	s1 =	rddreg [dreg:$0x2];
	s4 =	srdreg.scid;
	s3 =	simm.s32 $0x0  }
0x4: {  	s11 =	stileid.u32;
	s29 =	simm.s32 $0x19180;
	s30 =	simm.s32 $0x16080  }
0x5: {  	s28 =	simm.s32 $0x16100;
	s12 =	simm.s32 $0x5;
	s31 =	simm.s32 $0x0  }
0x6: {  	s6 =	sand.u32 $0x1, s4;
	s5 =	sadd.s32 $0x420600, s0;
	s10 =	smul.u32 $0x4E000, s11  }
0x7: {  	[smem:$0x7FF] =	sst s3;
	s9 =	sadd.s32 $0x42A400, s0;
	s17 =	smul.u32 $0x2710, s11  }
0x8: {  	s20 =	sadd.s32 $0x124800, s1;
	p0 =	seq.s32 s11, $0xF;
	s4 =	sshll.u32 s6, $0x4  }
0x9: {  	_ =	strace $0x80000047;
	s7 =	smul.u32 $0x27100, s6;
	[dreg:$0x4] =	wrdreg s9  }
0xa: {  	s6 =	ssub.s32 $0x2, s6;
	[dreg:$0xb] =	wrdreg s20;
	s20 =	simm.s32 $0x1F200  }
0xb: {  	s8 =	sor.u32 s11, s4;
	s4 =	sadd.s32 $0x1A00, s0;
	s13 =	sshrl.u32 s6, $0x1  }
0xc: {  	s16 =	sshrl.u32 s10, $0x2;
	s10 =	simm.s32 $0x4;
	s8 =	smul.u32 $0x2710, s8  }
0xd: {  	s0 =	sadd.s32 s7, s0;
	s6 =	ssub.s32 s6, s13;
	s22 =	sadd.s32 s17, s7  }
0xe: {  	s7 =	smul.u32 $0x2700, s11;
	s11 =	simm.s32 $0x2;
	s6 =	smax.u32 s6, $0x1  }
0xf: {  	s13 =	simm.s32 $0x3;
	s26 =	sadd.s32 $0x120, s22;
	[dreg:$0xf] =	wrdreg s6  }
0x10: {  	s9 =	sadd.s32 $0x42CC00, s0;
	s8 =	sshrl.u32 s8, $0x3;
	[dreg:$0x12] =	wrdreg s26  }
0x11: {  	s24 =	sadd.s32 $0x1E0, s22;
	[dreg:$0xe] =	wrdreg s9;
	s2 =	sadd.s32 s2, s8  }
0x12: {  	s0 =	sshrl.u32 s24, $0x3;
	s14 =	sadd.s32 s5, s8;
	[dreg:$0x5] =	wrdreg s2  }
0x13: {  	s17 =	simm.s32 $0x8;
	s0 =	sadd.s32 s0, s5;
	[dreg:$0x6] =	wrdreg s14  }
0x14: {  	s24 =	simm.s32 $0x16180;
	s15 =	sadd.s32 $0xC, s14;
	[dreg:$0x10] =	wrdreg s0  }
0x15: {  	s26 =	simm.s32 $0x16000;
	s18 =	sadd.s32 $0x18, s14;
	[dreg:$0x7] =	wrdreg s15  }
0x16: {  	s8 =	sadd.s32 $0x180, s22;
	s19 =	sadd.s32 $0x4E0, s14;
	[dreg:$0x8] =	wrdreg s18  }
0x17: {  	s2 =	sadd.s32 s16, s1;
	s21 =	sadd.s32 $0x4C8, s14;
	[dreg:$0x9] =	wrdreg s19  }
0x18: {  	s23 =	sadd.s32 $0x4D4, s14;
	s25 =	sshrl.u32 s8, $0x3;
	[dreg:$0xa] =	wrdreg s2  }
0x19: {  	s16 =	simm.s32 $0xC;
	s14 =	simm.s32 $0x6;
	[dreg:$0xc] =	wrdreg s21  }
0x1a: {  	[dreg:$0xd] =	wrdreg s23;
	s0 =	sadd.s32 s25, s5;
	s23 =	simm.s32 $0x60  }
0x1b: {  	s18 =	simm.s32 $0x1F180;
	s19 =	simm.s32 $0x10;
	s15 =	simm.s32 $0x7  }
0x1c: {  	s21 =	simm.s32 $0x9;
	[dreg:$0x11] =	wrdreg s0;
	s0 =	sadd.s32 @!p0 s7, s9  }
0x1d: {  	s9 =	simm.s32 $0x1;
	[dreg:$0x13] =	wrdreg s0;
	s0 =	simm.s32 $0x1C180  }
.LBB2_1:
0x1e: {  	s2 =	rddreg [dreg:$0x5];
	s6 =	simm.s32 $0x13880  }
0x1f: {  	[tilespmem:s6], [sflag:$0xC] =	stream.linear.gather [hbm4b:s2+s3], $0x2710, $0x38;
	[tilespmem:$0x1FA00] =	vst v63  }
0x20: {  	_ =	swait.ge [sflag:s16], $0x2710  }
0x21: {  	[sflag:s16] =	ssyncset.done $0x0  }
0x22: {  	[sflag:s16] =	ssyncadd.s32 $0xFFFFD8F0  }
0x23: {  	[tilespmem:s24], [sflag:$0x1] =	stream.indirect.gather [hbm4b:s4+s23], $0x80, s6, s23, $0xb8;
	[tilespmem:$0x1FA00] =	vst v63  }
0x24: {  	s22 =	rddreg [dreg:$0x6]  }
0x25: {  	[tilespmem:s26], [sflag:$0x4] =	stream.linear.gather [hbm4b:s22+s3], $0x60, $0x38;
	[tilespmem:$0x1FA00] =	vst v63  }
0x26: {  	s25 =	simm.s32 $0x138E0;
	s8 =	rddreg [dreg:$0x8]  }
0x27: {  	[tilespmem:s29], [sflag:$0x2] =	stream.indirect.gather [hbm4b:s4+s23], $0x80, s25, s23, $0xb8;
	[tilespmem:$0x1FA00] =	vst v63  }
0x28: {  	s6 =	rddreg [dreg:$0x7]  }
0x29: {  	[tilespmem:s30], [sflag:$0x5] =	stream.linear.gather [hbm4b:s6+s3], $0x60, $0x38;
	[tilespmem:$0x1FA00] =	vst v63  }
0x2a: {  	s7 =	simm.s32 $0x13940;
	s2 =	rddreg [dreg:$0xb]  }
0x2b: {  	[tilespmem:s0], [sflag:$0x3] =	stream.indirect.gather [hbm4b:s4+s23], $0x80, s7, s23, $0xb8;
	[tilespmem:$0x1FA00] =	vst v63  }
0x2c: {  	s16 =	rddreg [dreg:$0x9];
	s2 =	sshrl.u32 @p0 s2, $0x3  }
0x2d: {  	[tilespmem:s28], [sflag:$0x6] =	stream.linear.gather [hbm4b:s8+s3], $0x60, $0x38;
	[tilespmem:$0x1FA00] =	vst v63  }
0x2e: {  	[dreg:$0x14] =	wrdreg s2  }
0x2f: {  	[tilespmem:s18], [sflag:$0xB] =	stream.linear.gather [hbm4b:s16+s3], $0x10, $0x38;
	[tilespmem:$0x1FA00] =	vst v63  }
0x30: {  	s22 =	simm.s32 $0x15F80;
	s6 =	simm.s32 @p0 $0x1FCC;
	s16 =	rddreg [dreg:$0x4]  }
0x31: {  	[tilespmem:s20], [sflag:$0xA] =	stream.indirect.gather [hbm4b:s4+s19], $0x80, s22, s19, $0xb8;
	[tilespmem:$0x1FA00] =	vst v63  }
0x32: {  	[spmem:s2], [sflag:s6] =	dma.local @p0 [hbm:s16], $0x2800  }
0x33: {  	s6 =	simm.s32 @p0 $0xC;
	s2 =	stileid.u32  }
0x34: {  	_ =	swait.ge @p0 [sflag:s6], $0x2800;
	s7 =	sshll.u32 @!p0 s2, $0x6  }
0x35: {  	[sflag:s6] =	ssyncset.done @p0 $0x0;
	s7 =	sor.u32 @!p0 $0x1C0C, s7;
	s2 =	rddreg [dreg:$0xa]  }
0x36: {  	[sflag:s6] =	ssyncadd.s32 @p0 $0xFFFFD800;
	s8 =	sshrl.u32 @!p0 s2, $0x3;
	s6 =	simm.s32 @!p0 $0xC  }
0x37: {  	[spmem:s8], [sflag:s7] =	dma.local @!p0 [hbm:s16], $0x2700  }
0x38: {  	_ =	swait.ge @!p0 [sflag:s6], $0x2700  }
0x39: {  	[sflag:s6] =	ssyncset.done @!p0 $0x0  }
0x3a: {  	[sflag:s6] =	ssyncadd.s32 @!p0 $0xFFFFD900  }
0x3b: {  	[bflag:$0x0] =	sbarrier.arrive $0xFFFF  }
0x3c: {  	_ =	swait.ge [sflag:s9], $0x3000  }
0x3d: {  	[sflag:s9] =	ssyncset.done $0x0  }
0x3e: {  	[sflag:s9] =	ssyncadd.s32 $0xFFFFD000  }
0x3f: {  	_ =	swait.ge [sflag:s10], $0x60  }
0x40: {  	[sflag:s10] =	ssyncset.done $0x0  }
0x41: {  	[sflag:s10] =	ssyncadd.s32 $0xFFFFFFA0  }
0x42: {  	[spmem:s1] =	stream.indirect.scatter.add.f32 [tilespmem:s24], [sflag:$0x7], $0x80, s26, s23, $0xb8;
	[tilespmem:$0x1FA00] =	vst v63  }
0x43: {  	_ =	swait.ge [sflag:s11], $0x3000  }
0x44: {  	[sflag:s11] =	ssyncset.done $0x0  }
0x45: {  	[sflag:s11] =	ssyncadd.s32 $0xFFFFD000  }
0x46: {  	_ =	swait.ge [sflag:s12], $0x60  }
0x47: {  	[sflag:s12] =	ssyncset.done $0x0  }
0x48: {  	[sflag:s12] =	ssyncadd.s32 $0xFFFFFFA0  }
0x49: {  	[spmem:s1] =	stream.indirect.scatter.add.f32 [tilespmem:s29], [sflag:$0x8], $0x80, s30, s23, $0xb8;
	[tilespmem:$0x1FA00] =	vst v63  }
0x4a: {  	_ =	swait.ge [sflag:s13], $0x3000  }
0x4b: {  	[sflag:s13] =	ssyncset.done $0x0  }
0x4c: {  	[sflag:s13] =	ssyncadd.s32 $0xFFFFD000  }
0x4d: {  	_ =	swait.ge [sflag:s14], $0x60  }
0x4e: {  	[sflag:s14] =	ssyncset.done $0x0  }
0x4f: {  	[sflag:s14] =	ssyncadd.s32 $0xFFFFFFA0  }
0x50: {  	[spmem:s1] =	stream.indirect.scatter.add.f32 [tilespmem:s0], [sflag:$0x9], $0x80, s28, s23, $0xb8;
	[tilespmem:$0x1FA00] =	vst v63  }
0x51: {  	_ =	swait.ge [sflag:s15], $0x3000  }
0x52: {  	[sflag:s15] =	ssyncset.done $0x0;
	s19 =	rddreg [dreg:$0x12]  }
0x53: {  	s25 =	simm.s32 $0x139A0;
	[sflag:s15] =	ssyncadd.s32 $0xFFFFD000;
	s2 =	sshrl.u32 s19, $0x3  }
0x54: {  	[tilespmem:s24], [sflag:$0x1] =	stream.indirect.gather [hbm4b:s4+s23], $0x80, s25, s23, $0xb8;
	[tilespmem:$0x1FA00] =	vst v63  }
0x55: {  	s18 =	sadd.s32 s5, s2  }
0x56: {  	[tilespmem:s26], [sflag:$0x4] =	stream.linear.gather [hbm4b:s18+s3], $0x60, $0x38;
	[tilespmem:$0x1FA00] =	vst v63  }
0x57: {  	_ =	swait.ge [sflag:s17], $0x3000  }
0x58: {  	[sflag:s17] =	ssyncset.done $0x0  }
0x59: {  	s20 =	simm.s32 $0x13A00;
	[sflag:s17] =	ssyncadd.s32 $0xFFFFD000  }
0x5a: {  	[tilespmem:s29], [sflag:$0x2] =	stream.indirect.gather [hbm4b:s4+s23], $0x80, s20, s23, $0xb8;
	[tilespmem:$0x1FA00] =	vst v63  }
0x5b: {  	s22 =	rddreg [dreg:$0x11]  }
0x5c: {  	[tilespmem:s30], [sflag:$0x5] =	stream.linear.gather [hbm4b:s22+s3], $0x60, $0x38;
	[tilespmem:$0x1FA00] =	vst v63  }
0x5d: {  	_ =	swait.ge [sflag:s21], $0x3000  }
0x5e: {  	s16 =	simm.s32 $0x480;
	[sflag:s21] =	ssyncset.done $0x0  }
0x5f: {  	s25 =	simm.s32 $0x13A60;
	s18 =	rddreg [dreg:$0x10];
	[sflag:s21] =	ssyncadd.s32 $0xFFFFD000  }
0x60: {  	[tilespmem:s0], [sflag:$0x3] =	stream.indirect.gather [hbm4b:s4+s23], $0x80, s25, s23, $0xb8;
	[tilespmem:$0x1FA00] =	vst v63  }
0x61: {  	s19 =	sadd.s32 $0x120, s19;
	s6 =	sadd.s32 $0x24, s22;
	s25 =	sadd.s32 $0x24, s18  }
.LBB2_2:
0x62: {  	[tilespmem:s28], [sflag:$0x6] =	stream.linear.gather [hbm4b:s18+s3], $0x60, $0x38;
	[tilespmem:$0x1FA00] =	vst v63  }
0x63: {  	s20 =	smov.u32 s16;
	s18 =	smov.u32 s25  }
0x64: {  	p1 =	sne.s32 s16, $0x9000;
	s16 =	sadd.s32 $0x480, s16;
	_ =	swait.ge [sflag:s9], $0x3000  }
0x65: {  	[sflag:s9] =	ssyncset.done $0x0  }
0x66: {  	[sflag:s9] =	ssyncadd.s32 $0xFFFFD000  }
0x67: {  	_ =	swait.ge [sflag:s10], $0x60  }
0x68: {  	[sflag:s10] =	ssyncset.done $0x0  }
0x69: {  	[sflag:s10] =	ssyncadd.s32 $0xFFFFFFA0  }
0x6a: {  	[spmem:s1] =	stream.indirect.scatter.add.f32 [tilespmem:s24], [sflag:$0x7], $0x80, s26, s23, $0xb8;
	[tilespmem:$0x1FA00] =	vst v63  }
0x6b: {  	_ =	swait.ge [sflag:s11], $0x3000  }
0x6c: {  	[sflag:s11] =	ssyncset.done $0x0  }
0x6d: {  	[sflag:s11] =	ssyncadd.s32 $0xFFFFD000  }
0x6e: {  	_ =	swait.ge [sflag:s12], $0x60  }
0x6f: {  	[sflag:s12] =	ssyncset.done $0x0  }
0x70: {  	[sflag:s12] =	ssyncadd.s32 $0xFFFFFFA0  }
0x71: {  	[spmem:s1] =	stream.indirect.scatter.add.f32 [tilespmem:s29], [sflag:$0x8], $0x80, s30, s23, $0xb8;
	[tilespmem:$0x1FA00] =	vst v63  }
0x72: {  	_ =	swait.ge [sflag:s13], $0x3000  }
0x73: {  	[sflag:s13] =	ssyncset.done $0x0  }
0x74: {  	[sflag:s13] =	ssyncadd.s32 $0xFFFFD000  }
0x75: {  	_ =	swait.ge [sflag:s14], $0x60  }
0x76: {  	[sflag:s14] =	ssyncset.done $0x0  }
0x77: {  	[sflag:s14] =	ssyncadd.s32 $0xFFFFFFA0  }
0x78: {  	[spmem:s1] =	stream.indirect.scatter.add.f32 [tilespmem:s0], [sflag:$0x9], $0x80, s28, s23, $0xb8;
	[tilespmem:$0x1FA00] =	vst v63  }
0x79: {  	_ =	swait.ge [sflag:s15], $0x3000  }
0x7a: {  	s20 =	sshra.s32 s20, $0x2;
	[sflag:s15] =	ssyncset.done $0x0  }
0x7b: {  	s2 =	sshrl.u32 s19, $0x3;
	s22 =	sadd.s32 $0x139A0, s20;
	[sflag:s15] =	ssyncadd.s32 $0xFFFFD000  }
0x7c: {  	[tilespmem:s24], [sflag:$0x1] =	stream.indirect.gather [hbm4b:s4+s23], $0x80, s22, s23, $0xb8;
	[tilespmem:$0x1FA00] =	vst v63  }
0x7d: {  	s2 =	sadd.s32 s5, s2  }
0x7e: {  	[tilespmem:s26], [sflag:$0x4] =	stream.linear.gather [hbm4b:s2+s3], $0x60, $0x38;
	[tilespmem:$0x1FA00] =	vst v63  }
0x7f: {  	_ =	swait.ge [sflag:s17], $0x3000  }
0x80: {  	[sflag:s17] =	ssyncset.done $0x0  }
0x81: {  	s2 =	sadd.s32 $0x13A00, s20;
	[sflag:s17] =	ssyncadd.s32 $0xFFFFD000  }
0x82: {  	[tilespmem:s29], [sflag:$0x2] =	stream.indirect.gather [hbm4b:s4+s23], $0x80, s2, s23, $0xb8;
	[tilespmem:$0x1FA00] =	vst v63  }
0x83: {  	_ = 	snop  }
0x84: {  	[tilespmem:s30], [sflag:$0x5] =	stream.linear.gather [hbm4b:s6+s3], $0x60, $0x38;
	[tilespmem:$0x1FA00] =	vst v63  }
.Ltmp0:
0x85: {  	_ =	swait.ge [sflag:s21], $0x3000;
	(pc) =	sbr.rel @p1 .LBB2_2-.Ltmp0, $4  }
0x86: {  	[sflag:s21] =	ssyncset.done $0x0  }
0x87: {  	s2 =	sadd.s32 $0x13A60, s20;
	[sflag:s21] =	ssyncadd.s32 $0xFFFFD000  }
0x88: {  	[tilespmem:s0], [sflag:$0x3] =	stream.indirect.gather [hbm4b:s4+s23], $0x80, s2, s23, $0xb8;
	[tilespmem:$0x1FA00] =	vst v63  }
0x89: {  	s25 =	sadd.s32 $0x24, s25;
	s19 =	sadd.s32 $0x120, s19;
	s6 =	sadd.s32 $0x24, s6  }
0x8a: {  	[tilespmem:s28], [sflag:$0x6] =	stream.linear.gather [hbm4b:s18+s3], $0x60, $0x38;
	[tilespmem:$0x1FA00] =	vst v63  }
0x8b: {  	_ =	swait.ge [sflag:s9], $0x3000  }
0x8c: {  	[sflag:s9] =	ssyncset.done $0x0  }
0x8d: {  	[sflag:s9] =	ssyncadd.s32 $0xFFFFD000  }
0x8e: {  	_ =	swait.ge [sflag:s10], $0x60  }
0x8f: {  	[sflag:s10] =	ssyncset.done $0x0  }
0x90: {  	[sflag:s10] =	ssyncadd.s32 $0xFFFFFFA0  }
0x91: {  	[spmem:s1] =	stream.indirect.scatter.add.f32 [tilespmem:s24], [sflag:$0x7], $0x80, s26, s23, $0xb8;
	[tilespmem:$0x1FA00] =	vst v63  }
0x92: {  	_ =	swait.ge [sflag:s11], $0x3000  }
0x93: {  	[sflag:s11] =	ssyncset.done $0x0  }
0x94: {  	[sflag:s11] =	ssyncadd.s32 $0xFFFFD000  }
0x95: {  	_ =	swait.ge [sflag:s12], $0x60  }
0x96: {  	[sflag:s12] =	ssyncset.done $0x0  }
0x97: {  	[sflag:s12] =	ssyncadd.s32 $0xFFFFFFA0  }
0x98: {  	[spmem:s1] =	stream.indirect.scatter.add.f32 [tilespmem:s29], [sflag:$0x8], $0x80, s30, s23, $0xb8;
	[tilespmem:$0x1FA00] =	vst v63  }
0x99: {  	_ =	swait.ge [sflag:s13], $0x3000  }
0x9a: {  	[sflag:s13] =	ssyncset.done $0x0  }
0x9b: {  	[sflag:s13] =	ssyncadd.s32 $0xFFFFD000  }
0x9c: {  	_ =	swait.ge [sflag:s14], $0x60  }
0x9d: {  	[sflag:s14] =	ssyncset.done $0x0  }
0x9e: {  	[sflag:s14] =	ssyncadd.s32 $0xFFFFFFA0  }
0x9f: {  	[spmem:s1] =	stream.indirect.scatter.add.f32 [tilespmem:s0], [sflag:$0x9], $0x80, s28, s23, $0xb8;
	[tilespmem:$0x1FA00] =	vst v63  }
0xa0: {  	_ =	swait.ge [sflag:s15], $0x3000  }
0xa1: {  	[sflag:s15] =	ssyncset.done $0x0  }
0xa2: {  	s2 =	simm.s32 $0x15EC0;
	[sflag:s15] =	ssyncadd.s32 $0xFFFFD000  }
0xa3: {  	[tilespmem:s24], [sflag:$0x1] =	stream.indirect.gather [hbm4b:s4+s23], $0x80, s2, s23, $0xb8;
	[tilespmem:$0x1FA00] =	vst v63  }
0xa4: {  	s16 =	rddreg [dreg:$0xc]  }
0xa5: {  	[tilespmem:s26], [sflag:$0x4] =	stream.linear.gather [hbm4b:s16+s3], $0x60, $0x38;
	[tilespmem:$0x1FA00] =	vst v63  }
0xa6: {  	_ =	swait.ge [sflag:s17], $0x3000  }
0xa7: {  	[sflag:s17] =	ssyncset.done $0x0  }
0xa8: {  	s18 =	simm.s32 $0x15F20;
	[sflag:s17] =	ssyncadd.s32 $0xFFFFD000  }
0xa9: {  	[tilespmem:s29], [sflag:$0x2] =	stream.indirect.gather [hbm4b:s4+s23], $0x80, s18, s23, $0xb8;
	[tilespmem:$0x1FA00] =	vst v63  }
0xaa: {  	s19 =	rddreg [dreg:$0xd]  }
0xab: {  	[tilespmem:s30], [sflag:$0x5] =	stream.linear.gather [hbm4b:s19+s3], $0x60, $0x38;
	[tilespmem:$0x1FA00] =	vst v63  }
0xac: {  	_ =	swait.ge [sflag:s21], $0x3000  }
0xad: {  	[sflag:s21] =	ssyncset.done $0x0  }
0xae: {  	[sflag:s21] =	ssyncadd.s32 $0xFFFFD000  }
0xaf: {  	_ =	swait.ge [sflag:s9], $0x3000  }
0xb0: {  	[sflag:s9] =	ssyncset.done $0x0  }
0xb1: {  	[sflag:s9] =	ssyncadd.s32 $0xFFFFD000  }
0xb2: {  	_ =	swait.ge [sflag:s10], $0x60  }
0xb3: {  	[sflag:s10] =	ssyncset.done $0x0  }
0xb4: {  	[sflag:s10] =	ssyncadd.s32 $0xFFFFFFA0  }
0xb5: {  	[spmem:s1] =	stream.indirect.scatter.add.f32 [tilespmem:s24], [sflag:$0x7], $0x80, s26, s23, $0xb8;
	[tilespmem:$0x1FA00] =	vst v63  }
0xb6: {  	_ =	swait.ge [sflag:s11], $0x3000  }
0xb7: {  	[sflag:s11] =	ssyncset.done $0x0  }
0xb8: {  	[sflag:s11] =	ssyncadd.s32 $0xFFFFD000  }
0xb9: {  	_ =	swait.ge [sflag:s12], $0x60  }
0xba: {  	[sflag:s12] =	ssyncset.done $0x0  }
0xbb: {  	s20 =	simm.s32 $0xA;
	[sflag:s12] =	ssyncadd.s32 $0xFFFFFFA0  }
0xbc: {  	[spmem:s1] =	stream.indirect.scatter.add.f32 [tilespmem:s29], [sflag:$0x8], $0x80, s30, s23, $0xb8;
	[tilespmem:$0x1FA00] =	vst v63  }
0xbd: {  	_ =	swait.ge [sflag:s20], $0x800  }
0xbe: {  	[sflag:s20] =	ssyncset.done $0x0  }
0xbf: {  	s22 =	simm.s32 $0xB;
	[sflag:s20] =	ssyncadd.s32 $0xFFFFF800  }
0xc0: {  	_ =	swait.ge [sflag:s22], $0x10  }
0xc1: {  	s16 =	simm.s32 $0xC;
	s18 =	simm.s32 $0x1F180;
	[sflag:s22] =	ssyncset.done $0x0  }
0xc2: {  	s19 =	simm.s32 $0x10;
	s20 =	simm.s32 $0x1F200;
	[sflag:s22] =	ssyncadd.s32 $0xFFFFFFF0  }
0xc3: {  	[spmem:s1] =	stream.indirect.scatter.add.f32 [tilespmem:s20], [sflag:$0xC], $0x80, s18, s19, $0xb8;
	[tilespmem:$0x1FA00] =	vst v63  }
0xc4: {  	_ =	swait.ge [sflag:s16], $0x800  }
0xc5: {  	[sflag:s16] =	ssyncset.done $0x0  }
0xc6: {  	[sflag:s16] =	ssyncadd.s32 $0xFFFFF800  }
0xc7: {  	_ =	swait.ge [sflag:s15], $0x3000  }
0xc8: {  	[sflag:s15] =	ssyncset.done $0x0  }
0xc9: {  	[sflag:s15] =	ssyncadd.s32 $0xFFFFD000  }
0xca: {  	_ =	swait.ge [sflag:s17], $0x3000  }
0xcb: {  	[sflag:s17] =	ssyncset.done $0x0  }
0xcc: {  	[sflag:s17] =	ssyncadd.s32 $0xFFFFD000  }
0xcd: {  	[bflag:$0x0] =	sbarrier.arrive $0xFFFF  }
0xce: {  	s2 =	rddreg [dreg:$0xe]  }
0xcf: {  	s6 =	simm.s32 @p0 $0x1FCC;
	s22 =	rddreg [dreg:$0x14];
	s2 =	sadd.s32 @p0 $0x24900, s2  }
0xd0: {  	[hbm:s2], [sflag:s6] =	dma.local @p0 [spmem:s22], $0x2800  }
0xd1: {  	s2 =	simm.s32 @p0 $0xC  }
0xd2: {  	_ =	swait.ge @p0 [sflag:s2], $0x2800  }
0xd3: {  	[sflag:s2] =	ssyncset.done @p0 $0x0  }
0xd4: {  	[sflag:s2] =	ssyncadd.s32 @p0 $0xFFFFD800;
	s2 =	rddreg [dreg:$0x13]  }
0xd5: {  	[hbm:s2], [sflag:s7] =	dma.local @!p0 [spmem:s8], $0x2700  }
0xd6: {  	s2 =	simm.s32 @!p0 $0xC  }
0xd7: {  	_ =	swait.ge @!p0 [sflag:s2], $0x2700  }
0xd8: {  	s31 =	sadd.s32 $0x1, s31;
	s25 =	rddreg [dreg:$0xf]  }
0xd9: {  	p1 =	sne.s32 s31, s25  }
.Ltmp1:
0xda: {  	_ = 	snop;
	(pc) =	sbr.rel @p1 .LBB2_1-.Ltmp1, $3  }
0xdb: {  	_ =	sdelay $0x1  }
0xdc: {  	[sflag:s2] =	ssyncset.done @!p0 $0x0  }
0xdd: {  	[sflag:s2] =	ssyncadd.s32 @!p0 $0xFFFFD900  }
0xde: {  	_ =	sfence.sel $0x180000  }
0xdf: {  	[bflag:$0x0] =	sbarrier.arrive $0xFFFF  }
0xe0: {  	_ =	strace $0x90000047  }
0xe1: {  	s0 =	stileid.u32;
	[bflag:$0x2] =	sbarrier.arrive $0xFFFF  }
0xe2: {  	p0 =	sne.s32 s0, $0x0;
	s0 =	rddreg [dreg:$0x3]  }
0xe3: {  	s0 =	sadd.s32 @!p0 $0x100000, s0  }
0xe4: {  	[sflag:s0] =	ssyncadd.tile.s32 @!p0 $0x1;
	_ =	shalt  }
.Lfunc_end2:
_tile_overlayer_lowered:
.L_overlay_start_2:
0xe5: {  	(tag) =	ssettag $0x2  }
0xe6: {  	s0 =	rddreg [dreg:$0x0];
	s2 =	stileid.u32  }
0xe7: {  	s1 =	rddreg [dreg:$0x1];
	p0 =	sne.s32 s2, $0x0  }
0xe8: {  	s3 =	rddreg [dreg:$0x2];
	[bflag:$0x3] =	sbarrier.arrive $0xFFFF;
	s2 =	simm.s32 @!p0 $0x1C0C  }
0xe9: {  	[timem:s3], [sflag:s2] =	dma.local @!p0 [hbm:s0], s1  }
0xea: {  	s0 =	simm.s32 @!p0 $0xC  }
0xeb: {  	_ =	swait.ge @!p0 [sflag:s0], s1  }
0xec: {  	s1 =	ssub.s32 @!p0 $0x0, s1;
	[sflag:s0] =	ssyncset.done @!p0 $0x0  }
0xed: {  	[sflag:s0] =	ssyncadd.s32 @!p0 s1  }
0xee: {  	[bflag:$0x3] =	sbarrier.arrive $0xFFFF  }
0xef: {  	_ =	shalt  }

</sc_bundles>
